<compile_context>
chip_gen: v7x
topology: tpu7x:2x2x1
jax: 0.10.2.dev20260603
libtpu: 0.0.44.dev20260713+nightly
codegen_flags: <defaults>
</compile_context>

<pallas_src>
import functools

import jax
import jax.numpy as jnp
from jax import lax
from jax.experimental import pallas as pl
from jax.experimental.pallas import tpu as pltpu
from jax.experimental.pallas import tpu_sc as plsc

RES = 200
NPTS = 262144
FEAT = 4
HID = 32
L = 16
NCORES = 2
NSUB = 16
NWORK = NCORES * NSUB
PW = NPTS // NWORK
C = 512
G = C // L
NCHUNK = PW // C
IDXN = 8 * C
R1S = IDXN
R2S = IDXN + G * L
IDXT = R2S + 128


def _sc_body(xyz_hbm, grid_hbm, feat_hbm, xyz_v, idx_v, w_v, rows_v, feat_v, sem):
    wid = lax.axis_index("s") * NCORES + lax.axis_index("c")
    wbase = wid * PW
    lane = lax.iota(jnp.int32, L)
    lane3 = lane * 3
    lane7 = lane * 7
    zero16 = jnp.zeros((L,), jnp.int32)
    idx_v[pl.ds(R2S + 64, 16)] = zero16
    idx_v[pl.ds(R2S + 80, 16)] = zero16
    idx_v[pl.ds(R2S + 96, 16)] = zero16
    idx_v[pl.ds(R2S + 112, 16)] = zero16

    def chunk_body(chunk, _):
        base = wbase + chunk * C
        pltpu.sync_copy(xyz_hbm.at[pl.ds(base * 3, C * 3)], xyz_v)

        def phase_a(g, _):
            off = g * L
            x = plsc.load_gather(xyz_v, [lane3 + off * 3 + 0])
            y = plsc.load_gather(xyz_v, [lane3 + off * 3 + 1])
            z = plsc.load_gather(xyz_v, [lane3 + off * 3 + 2])
            ux = (x + 2.0) * 0.25
            uy = (y + 2.0) * 0.25
            uz = (z + 2.0) * 0.25
            px = ux * 199.0
            py = uy * 199.0
            pz = uz * 199.0
            cx = jnp.minimum(jnp.maximum(px, 0.0), 198.0)
            cy = jnp.minimum(jnp.maximum(py, 0.0), 198.0)
            cz = jnp.minimum(jnp.maximum(pz, 0.0), 198.0)
            ix = cx.astype(jnp.int32)
            iy = cy.astype(jnp.int32)
            iz = cz.astype(jnp.int32)
            fx = px - ix.astype(jnp.float32)
            fy = py - iy.astype(jnp.float32)
            fz = pz - iz.astype(jnp.float32)
            base_idx = (ix * RES + iy) * RES + iz
            gx0 = 1.0 - fx
            gy0 = 1.0 - fy
            gz0 = 1.0 - fz
            w00 = gx0 * gy0
            w01 = gx0 * fy
            w10 = fx * gy0
            w11 = fx * fy
            goff = g * (8 * L)
            corners = (
                (0, w00 * gz0), (1, w00 * fz),
                (RES, w01 * gz0), (RES + 1, w01 * fz),
                (RES * RES, w10 * gz0), (RES * RES + 1, w10 * fz),
                (RES * RES + RES, w11 * gz0), (RES * RES + RES + 1, w11 * fz),
            )
            for c, (doff, wc) in enumerate(corners):
                idx_v[pl.ds(goff + c * L, L)] = base_idx + doff
                w_v[pl.ds(goff + c * L, L)] = wc
            c7 = base_idx + (RES * RES + RES + 1)
            idx_v[pl.ds(R1S + g * L, L)] = c7
            idx_v[pl.ds(R2S + (g // 8) * L, L)] = c7
            plsc.store_scatter(feat_v, [lane7 + off * 7 + 0], ux)
            plsc.store_scatter(feat_v, [lane7 + off * 7 + 1], uy)
            plsc.store_scatter(feat_v, [lane7 + off * 7 + 2], uz)
            return 0

        lax.fori_loop(0, G, phase_a, 0)

        def gather_batch(b, _):
            for j8 in range(8):
                j = b * 8 + j8
                pltpu.async_copy(
                    grid_hbm.at[idx_v.at[pl.ds(j * 256, 128)]],
                    rows_v.at[pl.ds(j * 128, 128), :],
                    sem,
                )
            for j8 in range(8):
                j = b * 8 + j8
                pltpu.make_async_copy(
                    grid_hbm.at[idx_v.at[pl.ds(j * 256, 128)]],
                    rows_v.at[pl.ds(j * 128, 128), :],
                    sem,
                ).wait()
            return 0

        lax.fori_loop(0, IDXN // 128 // 8, gather_batch, 0)
        for ro in (R1S, R1S + 128, R1S + 256, R1S + 384, R2S):
            pltpu.async_copy(
                grid_hbm.at[idx_v.at[pl.ds(2 * ro, 128)]],
                rows_v.at[pl.ds(ro, 128), :], sem)
        for ro in (R1S, R1S + 128, R1S + 256, R1S + 384, R2S):
            pltpu.make_async_copy(
                grid_hbm.at[idx_v.at[pl.ds(2 * ro, 128)]],
                rows_v.at[pl.ds(ro, 128), :], sem).wait()

        def phase_b(g, _):
            off = g * L
            goff = g * (8 * L)
            ws = [w_v[pl.ds(goff + c * L, L)] for c in range(8)]
            r1 = R1S + g * L + lane
            r2 = R2S + (g // 8) * L + lane
            row7 = jnp.where(lane < 14, goff + 7 * L + lane,
                             jnp.where((g % 8) == 7, r2, r1))
            for k in range(FEAT):
                kk = jnp.full((L,), k, jnp.int32)
                acc = ws[0] * plsc.load_gather(rows_v, [goff + lane, kk])
                for c in range(1, 7):
                    acc = acc + ws[c] * plsc.load_gather(
                        rows_v, [goff + c * L + lane, kk])
                acc = acc + ws[7] * plsc.load_gather(rows_v, [row7, kk])
                plsc.store_scatter(feat_v, [lane7 + off * 7 + (3 + k)], acc)
            return 0

        lax.fori_loop(0, G, phase_b, 0)
        pltpu.sync_copy(feat_v, feat_hbm.at[pl.ds(base * 7, C * 7)])
        return 0

    lax.fori_loop(0, NCHUNK, chunk_body, 0)


_sc_featurize = functools.partial(
    pl.kernel,
    out_type=jax.ShapeDtypeStruct((NPTS * 7,), jnp.float32),
    mesh=plsc.VectorSubcoreMesh(
        core_axis_name="c", subcore_axis_name="s",
        num_cores=NCORES, num_subcores=NSUB),
    scratch_types=[
        pltpu.VMEM((C * 3,), jnp.float32),
        pltpu.VMEM((2 * R2S + 128,), jnp.int32),
        pltpu.VMEM((IDXN,), jnp.float32),
        pltpu.VMEM((IDXT, FEAT), jnp.float32),
        pltpu.VMEM((C * 7,), jnp.float32),
        pltpu.SemaphoreType.DMA,
    ],
    compiler_params=pltpu.CompilerParams(
        needs_layout_passes=False, use_tc_tiling_on_sc=False),
)(_sc_body)


def _mlp_body(feat_ref, w0_ref, w1s_ref, w1c_ref, rgb_ref, sdf_ref):
    ft = feat_ref[...]
    h = jnp.maximum(
        jnp.dot(ft, w0_ref[...], preferred_element_type=jnp.float32), 0.0)
    sdf_ref[...] = jnp.dot(h[:, :HID], w1s_ref[...],
                           preferred_element_type=jnp.float32)
    rgb_ref[...] = jnp.dot(h[:, HID:], w1c_ref[...],
                           preferred_element_type=jnp.float32)


def _tc_mlp(feat, w0, w1s, w1c):
    B = 4096
    return pl.pallas_call(
        _mlp_body,
        grid=(NPTS // B,),
        in_specs=[
            pl.BlockSpec((B, 7), lambda i: (i, 0)),
            pl.BlockSpec((7, 2 * HID), lambda i: (0, 0)),
            pl.BlockSpec((HID, 1), lambda i: (0, 0)),
            pl.BlockSpec((HID, 3), lambda i: (0, 0)),
        ],
        out_specs=[
            pl.BlockSpec((B, 3), lambda i: (i, 0)),
            pl.BlockSpec((B, 1), lambda i: (i, 0)),
        ],
        out_shape=[
            jax.ShapeDtypeStruct((NPTS, 3), jnp.float32),
            jax.ShapeDtypeStruct((NPTS, 1), jnp.float32),
        ],
    )(feat, w0, w1s, w1c)


def kernel(xyz, grid, sdf_w0, sdf_w1, col_w0, col_w1):
    feat = _sc_featurize(xyz.reshape(-1), grid).reshape(NPTS, 7)
    w0 = jnp.concatenate(
        [jnp.concatenate([sdf_w0[FEAT:], sdf_w0[:FEAT]], axis=0), col_w0],
        axis=1)
    rgb, sdf = _tc_mlp(feat, w0, sdf_w1, col_w1)
    return rgb, sdf.reshape(-1)

# --- scband reference (transcript-rebuilt; emitter-appended) ---
"""Pipeline reference for scband-grid-decoder-76656576299714 (READ-ONLY COPY).

The authoritative reference and input builder live on the scoring server;
editing this copy changes nothing except your own understanding.
"""

import jax, jax.numpy as jnp
import numpy as np

R = 200
F = 4
N = 262144
HID = 32
BOUND_LO = np.array([-2.0, -2.0, -2.0], dtype=np.float32)
BOUND_DIS = np.array([4.0, 4.0, 4.0], dtype=np.float32)


def setup_inputs(seed: int = 0):
    key = jax.random.key(seed)
    k1, k2, k3, k4, k5, k6 = jax.random.split(key, 6)
    xyz = jax.random.uniform(k1, (N, 3), dtype=jnp.float32) * 4.0 - 2.0
    grid = (jax.random.uniform(k2, (R * R * R, F), dtype=jnp.float32) * 2.0 - 1.0) * 1e-4
    sdf_w0 = jax.random.normal(k3, (F + 3, HID), dtype=jnp.float32) * (1.0 / np.sqrt(F + 3))
    sdf_w1 = jax.random.normal(k4, (HID, 1), dtype=jnp.float32) * (1.0 / np.sqrt(HID))
    col_w0 = jax.random.normal(k5, (F + 3, HID), dtype=jnp.float32) * (1.0 / np.sqrt(F + 3))
    col_w1 = jax.random.normal(k6, (HID, 3), dtype=jnp.float32) * (1.0 / np.sqrt(HID))
    return {"xyz": xyz, "grid": grid, "sdf_w0": sdf_w0, "sdf_w1": sdf_w1, "col_w0": col_w0, "col_w1": col_w1}


def _trilinear(grid, u):
    pos = u * (R - 1)
    p0 = jnp.clip(jnp.floor(pos).astype(jnp.int32), 0, R - 2)
    f = pos - p0.astype(pos.dtype)
    out = jnp.zeros((u.shape[0], F), dtype=grid.dtype)
    for dx in (0, 1):
        wx = f[:, 0] if dx else 1.0 - f[:, 0]
        for dy in (0, 1):
            wy = f[:, 1] if dy else 1.0 - f[:, 1]
            for dz in (0, 1):
                wz = f[:, 2] if dz else 1.0 - f[:, 2]
                idx = ((p0[:, 0] + dx) * R + (p0[:, 1] + dy)) * R + (p0[:, 2] + dz)
                out = out + jnp.take(grid, idx, axis=0) * (wx * wy * wz)[:, None]
    return out


def reference(xyz, grid, sdf_w0, sdf_w1, col_w0, col_w1):
    u = (xyz - jnp.asarray(BOUND_LO)) / jnp.asarray(BOUND_DIS)
    embed = _trilinear(grid, u)
    h_sdf = jnp.concatenate([embed, u], axis=-1)
    sdf = jnp.maximum(h_sdf @ sdf_w0, 0.0) @ sdf_w1
    h_col = jnp.concatenate([u, embed], axis=-1)
    rgb = jnp.maximum(h_col @ col_w0, 0.0) @ col_w1
    return (rgb[:, :3], sdf[:, 0])

if __name__ == "__main__":
    import jax
    _d = setup_inputs()
    print(jax.jit(kernel)(*tuple(_d.values())))

</pallas_src>

<mosaic_0001>
#map = affine_map<(d0, d1) -> (0)>
#map1 = affine_map<(d0, d1) -> (0, 0)>
module attributes {stable_mosaic.version = 14 : i64} {
  func.func @_sc_body(%arg0: i32, %arg1: i32, %arg2: memref<786432xf32, #tpu.memory_space<hbm>>, %arg3: memref<8000000x4xf32, #tpu.memory_space<hbm>>, %arg4: memref<1835008xf32, #tpu.memory_space<hbm>>, %arg5: memref<1536xf32, #tpu.memory_space<vmem>>, %arg6: memref<9344xi32, #tpu.memory_space<vmem>>, %arg7: memref<4096xf32, #tpu.memory_space<vmem>>, %arg8: memref<4736x4xf32, #tpu.memory_space<vmem>>, %arg9: memref<3584xf32, #tpu.memory_space<vmem>>, %arg10: memref<!tpu.dma_semaphore, #tpu.memory_space<semaphore_mem>>) attributes {dimension_semantics = [#tpu.dimension_semantics<core_parallel>, #tpu.dimension_semantics<subcore_parallel>], iteration_bounds = array<i64: 2, 16>, scalar_prefetch = 0 : i64, scratch_operands = 6 : i64, tpu.core_type = #tpu.core_type<sc_vector_subcore>, window_params = [{transform_indices = #map}, {transform_indices = #map1}, {transform_indices = #map}]} {
    %mul3A = arith.constant 2 : i32
    %mul3A_0 = arith.muli %arg1, %mul3A : i32
    %add3A = arith.addi %mul3A_0, %arg0 : i32
    %mul3A_1 = arith.constant 8192 : i32
    %mul3A_2 = arith.muli %add3A, %mul3A_1 : i32
    %iota3A = tpu.iota {dimensions = array<i32: 0>} : vector<16xi32>
    %mul3A_3 = arith.constant 3 : i32
    %mul3A_4 = vector.broadcast %mul3A_3 : i32 to vector<16xi32>
    %mul3A_5 = arith.muli %iota3A, %mul3A_4 : vector<16xi32>
    %mul3A_6 = arith.constant 7 : i32
    %mul3A_7 = vector.broadcast %mul3A_6 : i32 to vector<16xi32>
    %mul3A_8 = arith.muli %iota3A, %mul3A_7 : vector<16xi32>
    %broadcast_in_dim3A = arith.constant 0 : i32
    %broadcast_in_dim3A_9 = vector.broadcast %broadcast_in_dim3A : i32 to vector<16xi32>
    %swap3A = arith.constant 4672 : index
    %swap3A_10 = tpu.vector_load %arg6[%swap3A] {strides = array<i32>} : memref<9344xi32, #tpu.memory_space<vmem>>, vector<16xi32>,
    tpu.vector_store %arg6[%swap3A], %broadcast_in_dim3A_9 {strides = array<i32>} : memref<9344xi32, #tpu.memory_space<vmem>>, vector<16xi32>,
    %swap3A_11 = arith.constant 4688 : index
    %swap3A_12 = tpu.vector_load %arg6[%swap3A_11] {strides = array<i32>} : memref<9344xi32, #tpu.memory_space<vmem>>, vector<16xi32>,
    tpu.vector_store %arg6[%swap3A_11], %broadcast_in_dim3A_9 {strides = array<i32>} : memref<9344xi32, #tpu.memory_space<vmem>>, vector<16xi32>,
    %swap3A_13 = arith.constant 4704 : index
    %swap3A_14 = tpu.vector_load %arg6[%swap3A_13] {strides = array<i32>} : memref<9344xi32, #tpu.memory_space<vmem>>, vector<16xi32>,
    tpu.vector_store %arg6[%swap3A_13], %broadcast_in_dim3A_9 {strides = array<i32>} : memref<9344xi32, #tpu.memory_space<vmem>>, vector<16xi32>,
    %swap3A_15 = arith.constant 4720 : index
    %swap3A_16 = tpu.vector_load %arg6[%swap3A_15] {strides = array<i32>} : memref<9344xi32, #tpu.memory_space<vmem>>, vector<16xi32>,
    tpu.vector_store %arg6[%swap3A_15], %broadcast_in_dim3A_9 {strides = array<i32>} : memref<9344xi32, #tpu.memory_space<vmem>>, vector<16xi32>,
    %scan3A = arith.constant 0 : i32
    %scan3A_17 = arith.constant 0 : i32
    %scan3A_18 = arith.constant 16 : i32
    %scan3A_19 = arith.addi %scan3A_17, %scan3A_18 : i32
    %scan3A_20 = arith.constant 1 : i32
    %scan3A_21 = scf.for %scan3A_23 = %scan3A_17 to %scan3A_19 step %scan3A_20 iter_args(%scan3A_24 = %scan3A) -> (i32)  : i32 {
      %mul3A_25 = arith.constant 512 : i32
      %mul3A_26 = arith.muli %scan3A_23, %mul3A_25 : i32
      %add3A_27 = arith.addi %mul3A_2, %mul3A_26 : i32
      %mul3A_28 = arith.constant 3 : i32
      %mul3A_29 = arith.muli %add3A_27, %mul3A_28 : i32
      "tpu.region"() ({
        %run_scoped3A = tpu.sem_alloc : memref<!tpu.dma_semaphore, #tpu.memory_space<semaphore_mem>>
        %dma_start3A_132 = tpu.memref_slice %arg2[%mul3A_29] : memref<786432xf32, #tpu.memory_space<hbm>> -> memref<1536xf32, #tpu.memory_space<hbm>>
        %dma_start3A_133 = tpu.memref_slice %arg2[%mul3A_29] : memref<786432xf32, #tpu.memory_space<hbm>> -> memref<1536xf32, #tpu.memory_space<hbm>>
        tpu.enqueue_dma source(%dma_start3A_133 : memref<1536xf32, #tpu.memory_space<hbm>>) target(%arg5 : memref<1536xf32, #tpu.memory_space<vmem>>) target_semaphore(%run_scoped3A : memref<!tpu.dma_semaphore, #tpu.memory_space<semaphore_mem>>)
        %dma_wait3A_134 = tpu.memref_slice %arg2[%mul3A_29] : memref<786432xf32, #tpu.memory_space<hbm>> -> memref<1536xf32, #tpu.memory_space<hbm>>
        %dma_wait3A_135 = tpu.memref_slice %arg2[%mul3A_29] : memref<786432xf32, #tpu.memory_space<hbm>> -> memref<1536xf32, #tpu.memory_space<hbm>>
        tpu.wait_dma2 semaphore(%run_scoped3A : memref<!tpu.dma_semaphore, #tpu.memory_space<semaphore_mem>>) src(%dma_wait3A_135 : memref<1536xf32, #tpu.memory_space<hbm>>) dst(%arg5 : memref<1536xf32, #tpu.memory_space<vmem>>)
        tpu.yield
      }) : () -> ()
      %scan3A_30 = arith.constant 0 : i32
      %scan3A_31 = arith.constant 0 : i32
      %scan3A_32 = arith.constant 32 : i32
      %scan3A_33 = arith.addi %scan3A_31, %scan3A_32 : i32
      %scan3A_34 = arith.constant 1 : i32
      %scan3A_35 = scf.for %scan3A_132 = %scan3A_31 to %scan3A_33 step %scan3A_34 iter_args(%scan3A_133 = %scan3A_30) -> (i32)  : i32 {
        %mul3A_134 = arith.constant 16 : i32
        %mul3A_135 = arith.muli %scan3A_132, %mul3A_134 : i32
        %mul3A_136 = arith.constant 3 : i32
        %mul3A_137 = arith.muli %mul3A_135, %mul3A_136 : i32
        %add3A_138 = vector.broadcast %mul3A_137 : i32 to vector<16xi32>
        %add3A_139 = arith.addi %mul3A_5, %add3A_138 : vector<16xi32>
        %add3A_140 = arith.constant 0 : i32
        %add3A_141 = vector.broadcast %add3A_140 : i32 to vector<16xi32>
        %add3A_142 = arith.addi %add3A_139, %add3A_141 : vector<16xi32>
        %gather3A = tpu.vector_load_idx %arg5[%add3A_142] : memref<1536xf32, #tpu.memory_space<vmem>>[vector<16xi32>], vector<16xf32>,
        %mul3A_143 = arith.constant 3 : i32
        %mul3A_144 = arith.muli %mul3A_135, %mul3A_143 : i32
        %add3A_145 = vector.broadcast %mul3A_144 : i32 to vector<16xi32>
        %add3A_146 = arith.addi %mul3A_5, %add3A_145 : vector<16xi32>
        %add3A_147 = arith.constant 1 : i32
        %add3A_148 = vector.broadcast %add3A_147 : i32 to vector<16xi32>
        %add3A_149 = arith.addi %add3A_146, %add3A_148 : vector<16xi32>
        %gather3A_150 = tpu.vector_load_idx %arg5[%add3A_149] : memref<1536xf32, #tpu.memory_space<vmem>>[vector<16xi32>], vector<16xf32>,
        %mul3A_151 = arith.constant 3 : i32
        %mul3A_152 = arith.muli %mul3A_135, %mul3A_151 : i32
        %add3A_153 = vector.broadcast %mul3A_152 : i32 to vector<16xi32>
        %add3A_154 = arith.addi %mul3A_5, %add3A_153 : vector<16xi32>
        %add3A_155 = arith.constant 2 : i32
        %add3A_156 = vector.broadcast %add3A_155 : i32 to vector<16xi32>
        %add3A_157 = arith.addi %add3A_154, %add3A_156 : vector<16xi32>
        %gather3A_158 = tpu.vector_load_idx %arg5[%add3A_157] : memref<1536xf32, #tpu.memory_space<vmem>>[vector<16xi32>], vector<16xf32>,
        %add3A_159 = arith.constant 2.000000e+00 : f32
        %add3A_160 = vector.broadcast %add3A_159 : f32 to vector<16xf32>
        %add3A_161 = arith.addf %gather3A, %add3A_160 : vector<16xf32>
        %mul3A_162 = arith.constant 2.500000e-01 : f32
        %mul3A_163 = vector.broadcast %mul3A_162 : f32 to vector<16xf32>
        %mul3A_164 = arith.mulf %add3A_161, %mul3A_163 : vector<16xf32>
        %add3A_165 = arith.constant 2.000000e+00 : f32
        %add3A_166 = vector.broadcast %add3A_165 : f32 to vector<16xf32>
        %add3A_167 = arith.addf %gather3A_150, %add3A_166 : vector<16xf32>
        %mul3A_168 = arith.constant 2.500000e-01 : f32
        %mul3A_169 = vector.broadcast %mul3A_168 : f32 to vector<16xf32>
        %mul3A_170 = arith.mulf %add3A_167, %mul3A_169 : vector<16xf32>
        %add3A_171 = arith.constant 2.000000e+00 : f32
        %add3A_172 = vector.broadcast %add3A_171 : f32 to vector<16xf32>
        %add3A_173 = arith.addf %gather3A_158, %add3A_172 : vector<16xf32>
        %mul3A_174 = arith.constant 2.500000e-01 : f32
        %mul3A_175 = vector.broadcast %mul3A_174 : f32 to vector<16xf32>
        %mul3A_176 = arith.mulf %add3A_173, %mul3A_175 : vector<16xf32>
        %mul3A_177 = arith.constant 1.990000e+02 : f32
        %mul3A_178 = vector.broadcast %mul3A_177 : f32 to vector<16xf32>
        %mul3A_179 = arith.mulf %mul3A_164, %mul3A_178 : vector<16xf32>
        %mul3A_180 = arith.constant 1.990000e+02 : f32
        %mul3A_181 = vector.broadcast %mul3A_180 : f32 to vector<16xf32>
        %mul3A_182 = arith.mulf %mul3A_170, %mul3A_181 : vector<16xf32>
        %mul3A_183 = arith.constant 1.990000e+02 : f32
        %mul3A_184 = vector.broadcast %mul3A_183 : f32 to vector<16xf32>
        %mul3A_185 = arith.mulf %mul3A_176, %mul3A_184 : vector<16xf32>
        %max3A = arith.constant 0.000000e+00 : f32
        %max3A_186 = vector.broadcast %max3A : f32 to vector<16xf32>
        %max3A_187 = arith.maximumf %mul3A_179, %max3A_186 : vector<16xf32>
        %min3A = arith.constant 1.980000e+02 : f32
        %min3A_188 = vector.broadcast %min3A : f32 to vector<16xf32>
        %min3A_189 = arith.minimumf %max3A_187, %min3A_188 : vector<16xf32>
        %max3A_190 = arith.constant 0.000000e+00 : f32
        %max3A_191 = vector.broadcast %max3A_190 : f32 to vector<16xf32>
        %max3A_192 = arith.maximumf %mul3A_182, %max3A_191 : vector<16xf32>
        %min3A_193 = arith.constant 1.980000e+02 : f32
        %min3A_194 = vector.broadcast %min3A_193 : f32 to vector<16xf32>
        %min3A_195 = arith.minimumf %max3A_192, %min3A_194 : vector<16xf32>
        %max3A_196 = arith.constant 0.000000e+00 : f32
        %max3A_197 = vector.broadcast %max3A_196 : f32 to vector<16xf32>
        %max3A_198 = arith.maximumf %mul3A_185, %max3A_197 : vector<16xf32>
        %min3A_199 = arith.constant 1.980000e+02 : f32
        %min3A_200 = vector.broadcast %min3A_199 : f32 to vector<16xf32>
        %min3A_201 = arith.minimumf %max3A_198, %min3A_200 : vector<16xf32>
        %convert_element_type3A = arith.fptosi %min3A_189 : vector<16xf32> to vector<16xi32>
        %convert_element_type3A_202 = arith.fptosi %min3A_195 : vector<16xf32> to vector<16xi32>
        %convert_element_type3A_203 = arith.fptosi %min3A_201 : vector<16xf32> to vector<16xi32>
        %convert_element_type3A_204 = arith.sitofp %convert_element_type3A : vector<16xi32> to vector<16xf32>
        %sub3A = arith.subf %mul3A_179, %convert_element_type3A_204 : vector<16xf32>
        %convert_element_type3A_205 = arith.sitofp %convert_element_type3A_202 : vector<16xi32> to vector<16xf32>
        %sub3A_206 = arith.subf %mul3A_182, %convert_element_type3A_205 : vector<16xf32>
        %convert_element_type3A_207 = arith.sitofp %convert_element_type3A_203 : vector<16xi32> to vector<16xf32>
        %sub3A_208 = arith.subf %mul3A_185, %convert_element_type3A_207 : vector<16xf32>
        %mul3A_209 = arith.constant 200 : i32
        %mul3A_210 = vector.broadcast %mul3A_209 : i32 to vector<16xi32>
        %mul3A_211 = arith.muli %convert_element_type3A, %mul3A_210 : vector<16xi32>
        %add3A_212 = arith.addi %mul3A_211, %convert_element_type3A_202 : vector<16xi32>
        %mul3A_213 = arith.constant 200 : i32
        %mul3A_214 = vector.broadcast %mul3A_213 : i32 to vector<16xi32>
        %mul3A_215 = arith.muli %add3A_212, %mul3A_214 : vector<16xi32>
        %add3A_216 = arith.addi %mul3A_215, %convert_element_type3A_203 : vector<16xi32>
        %sub3A_217 = arith.constant 1.000000e+00 : f32
        %sub3A_218 = vector.broadcast %sub3A_217 : f32 to vector<16xf32>
        %sub3A_219 = arith.subf %sub3A_218, %sub3A : vector<16xf32>
        %sub3A_220 = arith.constant 1.000000e+00 : f32
        %sub3A_221 = vector.broadcast %sub3A_220 : f32 to vector<16xf32>
        %sub3A_222 = arith.subf %sub3A_221, %sub3A_206 : vector<16xf32>
        %sub3A_223 = arith.constant 1.000000e+00 : f32
        %sub3A_224 = vector.broadcast %sub3A_223 : f32 to vector<16xf32>
        %sub3A_225 = arith.subf %sub3A_224, %sub3A_208 : vector<16xf32>
        %mul3A_226 = arith.mulf %sub3A_219, %sub3A_222 : vector<16xf32>
        %mul3A_227 = arith.mulf %sub3A_219, %sub3A_206 : vector<16xf32>
        %mul3A_228 = arith.mulf %sub3A, %sub3A_222 : vector<16xf32>
        %mul3A_229 = arith.mulf %sub3A, %sub3A_206 : vector<16xf32>
        %mul3A_230 = arith.constant 128 : i32
        %mul3A_231 = arith.muli %scan3A_132, %mul3A_230 : i32
        %mul3A_232 = arith.mulf %mul3A_226, %sub3A_225 : vector<16xf32>
        %mul3A_233 = arith.mulf %mul3A_226, %sub3A_208 : vector<16xf32>
        %mul3A_234 = arith.mulf %mul3A_227, %sub3A_225 : vector<16xf32>
        %mul3A_235 = arith.mulf %mul3A_227, %sub3A_208 : vector<16xf32>
        %mul3A_236 = arith.mulf %mul3A_228, %sub3A_225 : vector<16xf32>
        %mul3A_237 = arith.mulf %mul3A_228, %sub3A_208 : vector<16xf32>
        %mul3A_238 = arith.mulf %mul3A_229, %sub3A_225 : vector<16xf32>
        %mul3A_239 = arith.mulf %mul3A_229, %sub3A_208 : vector<16xf32>
        %add3A_240 = arith.constant 0 : i32
        %add3A_241 = vector.broadcast %add3A_240 : i32 to vector<16xi32>
        %add3A_242 = arith.addi %add3A_216, %add3A_241 : vector<16xi32>
        %add3A_243 = arith.constant 0 : i32
        %add3A_244 = arith.addi %mul3A_231, %add3A_243 : i32
        %swap3A_245 = arith.index_cast %add3A_244 : i32 to index
        %swap3A_246 = tpu.vector_load %arg6[%swap3A_245] {strides = array<i32>} : memref<9344xi32, #tpu.memory_space<vmem>>, vector<16xi32>,
        tpu.vector_store %arg6[%swap3A_245], %add3A_242 {strides = array<i32>} : memref<9344xi32, #tpu.memory_space<vmem>>, vector<16xi32>,
        %add3A_247 = arith.constant 0 : i32
        %add3A_248 = arith.addi %mul3A_231, %add3A_247 : i32
        %swap3A_249 = arith.index_cast %add3A_248 : i32 to index
        %swap3A_250 = tpu.vector_load %arg7[%swap3A_249] {strides = array<i32>} : memref<4096xf32, #tpu.memory_space<vmem>>, vector<16xf32>,
        tpu.vector_store %arg7[%swap3A_249], %mul3A_232 {strides = array<i32>} : memref<4096xf32, #tpu.memory_space<vmem>>, vector<16xf32>,
        %add3A_251 = arith.constant 1 : i32
        %add3A_252 = vector.broadcast %add3A_251 : i32 to vector<16xi32>
        %add3A_253 = arith.addi %add3A_216, %add3A_252 : vector<16xi32>
        %add3A_254 = arith.constant 16 : i32
        %add3A_255 = arith.addi %mul3A_231, %add3A_254 : i32
        %swap3A_256 = arith.index_cast %add3A_255 : i32 to index
        %swap3A_257 = tpu.vector_load %arg6[%swap3A_256] {strides = array<i32>} : memref<9344xi32, #tpu.memory_space<vmem>>, vector<16xi32>,
        tpu.vector_store %arg6[%swap3A_256], %add3A_253 {strides = array<i32>} : memref<9344xi32, #tpu.memory_space<vmem>>, vector<16xi32>,
        %add3A_258 = arith.constant 16 : i32
        %add3A_259 = arith.addi %mul3A_231, %add3A_258 : i32
        %swap3A_260 = arith.index_cast %add3A_259 : i32 to index
        %swap3A_261 = tpu.vector_load %arg7[%swap3A_260] {strides = array<i32>} : memref<4096xf32, #tpu.memory_space<vmem>>, vector<16xf32>,
        tpu.vector_store %arg7[%swap3A_260], %mul3A_233 {strides = array<i32>} : memref<4096xf32, #tpu.memory_space<vmem>>, vector<16xf32>,
        %add3A_262 = arith.constant 200 : i32
        %add3A_263 = vector.broadcast %add3A_262 : i32 to vector<16xi32>
        %add3A_264 = arith.addi %add3A_216, %add3A_263 : vector<16xi32>
        %add3A_265 = arith.constant 32 : i32
        %add3A_266 = arith.addi %mul3A_231, %add3A_265 : i32
        %swap3A_267 = arith.index_cast %add3A_266 : i32 to index
        %swap3A_268 = tpu.vector_load %arg6[%swap3A_267] {strides = array<i32>} : memref<9344xi32, #tpu.memory_space<vmem>>, vector<16xi32>,
        tpu.vector_store %arg6[%swap3A_267], %add3A_264 {strides = array<i32>} : memref<9344xi32, #tpu.memory_space<vmem>>, vector<16xi32>,
        %add3A_269 = arith.constant 32 : i32
        %add3A_270 = arith.addi %mul3A_231, %add3A_269 : i32
        %swap3A_271 = arith.index_cast %add3A_270 : i32 to index
        %swap3A_272 = tpu.vector_load %arg7[%swap3A_271] {strides = array<i32>} : memref<4096xf32, #tpu.memory_space<vmem>>, vector<16xf32>,
        tpu.vector_store %arg7[%swap3A_271], %mul3A_234 {strides = array<i32>} : memref<4096xf32, #tpu.memory_space<vmem>>, vector<16xf32>,
        %add3A_273 = arith.constant 201 : i32
        %add3A_274 = vector.broadcast %add3A_273 : i32 to vector<16xi32>
        %add3A_275 = arith.addi %add3A_216, %add3A_274 : vector<16xi32>
        %add3A_276 = arith.constant 48 : i32
        %add3A_277 = arith.addi %mul3A_231, %add3A_276 : i32
        %swap3A_278 = arith.index_cast %add3A_277 : i32 to index
        %swap3A_279 = tpu.vector_load %arg6[%swap3A_278] {strides = array<i32>} : memref<9344xi32, #tpu.memory_space<vmem>>, vector<16xi32>,
        tpu.vector_store %arg6[%swap3A_278], %add3A_275 {strides = array<i32>} : memref<9344xi32, #tpu.memory_space<vmem>>, vector<16xi32>,
        %add3A_280 = arith.constant 48 : i32
        %add3A_281 = arith.addi %mul3A_231, %add3A_280 : i32
        %swap3A_282 = arith.index_cast %add3A_281 : i32 to index
        %swap3A_283 = tpu.vector_load %arg7[%swap3A_282] {strides = array<i32>} : memref<4096xf32, #tpu.memory_space<vmem>>, vector<16xf32>,
        tpu.vector_store %arg7[%swap3A_282], %mul3A_235 {strides = array<i32>} : memref<4096xf32, #tpu.memory_space<vmem>>, vector<16xf32>,
        %add3A_284 = arith.constant 40000 : i32
        %add3A_285 = vector.broadcast %add3A_284 : i32 to vector<16xi32>
        %add3A_286 = arith.addi %add3A_216, %add3A_285 : vector<16xi32>
        %add3A_287 = arith.constant 64 : i32
        %add3A_288 = arith.addi %mul3A_231, %add3A_287 : i32
        %swap3A_289 = arith.index_cast %add3A_288 : i32 to index
        %swap3A_290 = tpu.vector_load %arg6[%swap3A_289] {strides = array<i32>} : memref<9344xi32, #tpu.memory_space<vmem>>, vector<16xi32>,
        tpu.vector_store %arg6[%swap3A_289], %add3A_286 {strides = array<i32>} : memref<9344xi32, #tpu.memory_space<vmem>>, vector<16xi32>,
        %add3A_291 = arith.constant 64 : i32
        %add3A_292 = arith.addi %mul3A_231, %add3A_291 : i32
        %swap3A_293 = arith.index_cast %add3A_292 : i32 to index
        %swap3A_294 = tpu.vector_load %arg7[%swap3A_293] {strides = array<i32>} : memref<4096xf32, #tpu.memory_space<vmem>>, vector<16xf32>,
        tpu.vector_store %arg7[%swap3A_293], %mul3A_236 {strides = array<i32>} : memref<4096xf32, #tpu.memory_space<vmem>>, vector<16xf32>,
        %add3A_295 = arith.constant 40001 : i32
        %add3A_296 = vector.broadcast %add3A_295 : i32 to vector<16xi32>
        %add3A_297 = arith.addi %add3A_216, %add3A_296 : vector<16xi32>
        %add3A_298 = arith.constant 80 : i32
        %add3A_299 = arith.addi %mul3A_231, %add3A_298 : i32
        %swap3A_300 = arith.index_cast %add3A_299 : i32 to index
        %swap3A_301 = tpu.vector_load %arg6[%swap3A_300] {strides = array<i32>} : memref<9344xi32, #tpu.memory_space<vmem>>, vector<16xi32>,
        tpu.vector_store %arg6[%swap3A_300], %add3A_297 {strides = array<i32>} : memref<9344xi32, #tpu.memory_space<vmem>>, vector<16xi32>,
        %add3A_302 = arith.constant 80 : i32
        %add3A_303 = arith.addi %mul3A_231, %add3A_302 : i32
        %swap3A_304 = arith.index_cast %add3A_303 : i32 to index
        %swap3A_305 = tpu.vector_load %arg7[%swap3A_304] {strides = array<i32>} : memref<4096xf32, #tpu.memory_space<vmem>>, vector<16xf32>,
        tpu.vector_store %arg7[%swap3A_304], %mul3A_237 {strides = array<i32>} : memref<4096xf32, #tpu.memory_space<vmem>>, vector<16xf32>,
        %add3A_306 = arith.constant 40200 : i32
        %add3A_307 = vector.broadcast %add3A_306 : i32 to vector<16xi32>
        %add3A_308 = arith.addi %add3A_216, %add3A_307 : vector<16xi32>
        %add3A_309 = arith.constant 96 : i32
        %add3A_310 = arith.addi %mul3A_231, %add3A_309 : i32
        %swap3A_311 = arith.index_cast %add3A_310 : i32 to index
        %swap3A_312 = tpu.vector_load %arg6[%swap3A_311] {strides = array<i32>} : memref<9344xi32, #tpu.memory_space<vmem>>, vector<16xi32>,
        tpu.vector_store %arg6[%swap3A_311], %add3A_308 {strides = array<i32>} : memref<9344xi32, #tpu.memory_space<vmem>>, vector<16xi32>,
        %add3A_313 = arith.constant 96 : i32
        %add3A_314 = arith.addi %mul3A_231, %add3A_313 : i32
        %swap3A_315 = arith.index_cast %add3A_314 : i32 to index
        %swap3A_316 = tpu.vector_load %arg7[%swap3A_315] {strides = array<i32>} : memref<4096xf32, #tpu.memory_space<vmem>>, vector<16xf32>,
        tpu.vector_store %arg7[%swap3A_315], %mul3A_238 {strides = array<i32>} : memref<4096xf32, #tpu.memory_space<vmem>>, vector<16xf32>,
        %add3A_317 = arith.constant 40201 : i32
        %add3A_318 = vector.broadcast %add3A_317 : i32 to vector<16xi32>
        %add3A_319 = arith.addi %add3A_216, %add3A_318 : vector<16xi32>
        %add3A_320 = arith.constant 112 : i32
        %add3A_321 = arith.addi %mul3A_231, %add3A_320 : i32
        %swap3A_322 = arith.index_cast %add3A_321 : i32 to index
        %swap3A_323 = tpu.vector_load %arg6[%swap3A_322] {strides = array<i32>} : memref<9344xi32, #tpu.memory_space<vmem>>, vector<16xi32>,
        tpu.vector_store %arg6[%swap3A_322], %add3A_319 {strides = array<i32>} : memref<9344xi32, #tpu.memory_space<vmem>>, vector<16xi32>,
        %add3A_324 = arith.constant 112 : i32
        %add3A_325 = arith.addi %mul3A_231, %add3A_324 : i32
        %swap3A_326 = arith.index_cast %add3A_325 : i32 to index
        %swap3A_327 = tpu.vector_load %arg7[%swap3A_326] {strides = array<i32>} : memref<4096xf32, #tpu.memory_space<vmem>>, vector<16xf32>,
        tpu.vector_store %arg7[%swap3A_326], %mul3A_239 {strides = array<i32>} : memref<4096xf32, #tpu.memory_space<vmem>>, vector<16xf32>,
        %add3A_328 = arith.constant 40201 : i32
        %add3A_329 = vector.broadcast %add3A_328 : i32 to vector<16xi32>
        %add3A_330 = arith.addi %add3A_216, %add3A_329 : vector<16xi32>
        %mul3A_331 = arith.constant 16 : i32
        %mul3A_332 = arith.muli %scan3A_132, %mul3A_331 : i32
        %add3A_333 = arith.constant 4096 : i32
        %add3A_334 = arith.addi %add3A_333, %mul3A_332 : i32
        %swap3A_335 = arith.index_cast %add3A_334 : i32 to index
        %swap3A_336 = tpu.vector_load %arg6[%swap3A_335] {strides = array<i32>} : memref<9344xi32, #tpu.memory_space<vmem>>, vector<16xi32>,
        tpu.vector_store %arg6[%swap3A_335], %add3A_330 {strides = array<i32>} : memref<9344xi32, #tpu.memory_space<vmem>>, vector<16xi32>,
        %jit3A = arith.constant 8 : i32
        %div3A = arith.divsi %scan3A_132, %jit3A : i32
        %sign3A = arith.constant 0 : i32
        %sign3A_337 = arith.cmpi sgt, %scan3A_132, %sign3A : i32
        %sign3A_338 = arith.extui %sign3A_337 : i1 to i32
        %sign3A_339 = arith.constant 0 : i32
        %sign3A_340 = arith.cmpi slt, %scan3A_132, %sign3A_339 : i32
        %sign3A_341 = arith.extui %sign3A_340 : i1 to i32
        %sign3A_342 = arith.subi %sign3A_338, %sign3A_341 : i32
        %sign3A_343 = arith.constant 0 : i32
        %sign3A_344 = arith.cmpi sgt, %jit3A, %sign3A_343 : i32
        %sign3A_345 = arith.extui %sign3A_344 : i1 to i32
        %sign3A_346 = arith.constant 0 : i32
        %sign3A_347 = arith.cmpi slt, %jit3A, %sign3A_346 : i32
        %sign3A_348 = arith.extui %sign3A_347 : i1 to i32
        %sign3A_349 = arith.subi %sign3A_345, %sign3A_348 : i32
        %ne3A = arith.cmpi ne, %sign3A_342, %sign3A_349 : i32
        %rem3A = arith.remsi %scan3A_132, %jit3A : i32
        %ne3A_350 = arith.constant 0 : i32
        %ne3A_351 = arith.cmpi ne, %rem3A, %ne3A_350 : i32
        %and3A = arith.andi %ne3A, %ne3A_351 : i1
        %sub3A_352 = arith.constant 1 : i32
        %sub3A_353 = arith.subi %div3A, %sub3A_352 : i32
        %select_n3A = arith.select %and3A, %sub3A_353, %div3A : i32
        %mul3A_354 = arith.constant 16 : i32
        %mul3A_355 = arith.muli %select_n3A, %mul3A_354 : i32
        %add3A_356 = arith.constant 4608 : i32
        %add3A_357 = arith.addi %add3A_356, %mul3A_355 : i32
        %swap3A_358 = arith.index_cast %add3A_357 : i32 to index
        %swap3A_359 = tpu.vector_load %arg6[%swap3A_358] {strides = array<i32>} : memref<9344xi32, #tpu.memory_space<vmem>>, vector<16xi32>,
        tpu.vector_store %arg6[%swap3A_358], %add3A_330 {strides = array<i32>} : memref<9344xi32, #tpu.memory_space<vmem>>, vector<16xi32>,
        %mul3A_360 = arith.constant 7 : i32
        %mul3A_361 = arith.muli %mul3A_135, %mul3A_360 : i32
        %add3A_362 = vector.broadcast %mul3A_361 : i32 to vector<16xi32>
        %add3A_363 = arith.addi %mul3A_8, %add3A_362 : vector<16xi32>
        %add3A_364 = arith.constant 0 : i32
        %add3A_365 = vector.broadcast %add3A_364 : i32 to vector<16xi32>
        %add3A_366 = arith.addi %add3A_363, %add3A_365 : vector<16xi32>
        tpu.vector_store_idx %arg9[%add3A_366], %mul3A_164 : memref<3584xf32, #tpu.memory_space<vmem>>[vector<16xi32>], vector<16xf32>,
        %mul3A_367 = arith.constant 7 : i32
        %mul3A_368 = arith.muli %mul3A_135, %mul3A_367 : i32
        %add3A_369 = vector.broadcast %mul3A_368 : i32 to vector<16xi32>
        %add3A_370 = arith.addi %mul3A_8, %add3A_369 : vector<16xi32>
        %add3A_371 = arith.constant 1 : i32
        %add3A_372 = vector.broadcast %add3A_371 : i32 to vector<16xi32>
        %add3A_373 = arith.addi %add3A_370, %add3A_372 : vector<16xi32>
        tpu.vector_store_idx %arg9[%add3A_373], %mul3A_170 : memref<3584xf32, #tpu.memory_space<vmem>>[vector<16xi32>], vector<16xf32>,
        %mul3A_374 = arith.constant 7 : i32
        %mul3A_375 = arith.muli %mul3A_135, %mul3A_374 : i32
        %add3A_376 = vector.broadcast %mul3A_375 : i32 to vector<16xi32>
        %add3A_377 = arith.addi %mul3A_8, %add3A_376 : vector<16xi32>
        %add3A_378 = arith.constant 2 : i32
        %add3A_379 = vector.broadcast %add3A_378 : i32 to vector<16xi32>
        %add3A_380 = arith.addi %add3A_377, %add3A_379 : vector<16xi32>
        tpu.vector_store_idx %arg9[%add3A_380], %mul3A_176 : memref<3584xf32, #tpu.memory_space<vmem>>[vector<16xi32>], vector<16xf32>,
        %scan3A_381 = arith.constant 0 : i32
        scf.yield %scan3A_381 : i32
      }
      %scan3A_36 = arith.constant 32 : i32
      %scan3A_37 = arith.constant 0 : i32
      %scan3A_38 = arith.constant 0 : i32
      %scan3A_39 = arith.constant 4 : i32
      %scan3A_40 = arith.addi %scan3A_38, %scan3A_39 : i32
      %scan3A_41 = arith.constant 1 : i32
      %scan3A_42 = scf.for %scan3A_132 = %scan3A_38 to %scan3A_40 step %scan3A_41 iter_args(%scan3A_133 = %scan3A_37) -> (i32)  : i32 {
        %mul3A_134 = arith.constant 8 : i32
        %mul3A_135 = arith.muli %scan3A_132, %mul3A_134 : i32
        %add3A_136 = arith.constant 0 : i32
        %add3A_137 = arith.addi %mul3A_135, %add3A_136 : i32
        %mul3A_138 = arith.constant 256 : i32
        %mul3A_139 = arith.muli %add3A_137, %mul3A_138 : i32
        %mul3A_140 = arith.constant 128 : i32
        %mul3A_141 = arith.muli %add3A_137, %mul3A_140 : i32
        %dma_start3A_142 = arith.constant 0 : i32
        %dma_start3A_143 = tpu.memref_slice %arg8[%mul3A_141, %dma_start3A_142] : memref<4736x4xf32, #tpu.memory_space<vmem>> -> memref<128x4xf32, #tpu.memory_space<vmem>>
        %dma_start3A_144 = tpu.memref_slice %arg6[%mul3A_139] : memref<9344xi32, #tpu.memory_space<vmem>> -> memref<128xi32, #tpu.memory_space<vmem>>
        %dma_start3A_145 = arith.constant 0 : i32
        %dma_start3A_146 = arith.constant 0 : i32
        %dma_start3A_147 = tpu.memref_slice %arg3[%dma_start3A_145, %dma_start3A_146] : memref<8000000x4xf32, #tpu.memory_space<hbm>> -> memref<8000000x4xf32, #tpu.memory_space<hbm>>
        tpu.enqueue_indirect_dma source(%dma_start3A_147 : memref<8000000x4xf32, #tpu.memory_space<hbm>>) target(%dma_start3A_143 : memref<128x4xf32, #tpu.memory_space<vmem>>) offsets(%dma_start3A_144 : memref<128xi32, #tpu.memory_space<vmem>>) semaphore(%arg10 : memref<!tpu.dma_semaphore, #tpu.memory_space<semaphore_mem>>)
        %mul3A_148 = arith.constant 8 : i32
        %mul3A_149 = arith.muli %scan3A_132, %mul3A_148 : i32
        %add3A_150 = arith.constant 1 : i32
        %add3A_151 = arith.addi %mul3A_149, %add3A_150 : i32
        %mul3A_152 = arith.constant 256 : i32
        %mul3A_153 = arith.muli %add3A_151, %mul3A_152 : i32
        %mul3A_154 = arith.constant 128 : i32
        %mul3A_155 = arith.muli %add3A_151, %mul3A_154 : i32
        %dma_start3A_156 = arith.constant 0 : i32
        %dma_start3A_157 = tpu.memref_slice %arg8[%mul3A_155, %dma_start3A_156] : memref<4736x4xf32, #tpu.memory_space<vmem>> -> memref<128x4xf32, #tpu.memory_space<vmem>>
        %dma_start3A_158 = tpu.memref_slice %arg6[%mul3A_153] : memref<9344xi32, #tpu.memory_space<vmem>> -> memref<128xi32, #tpu.memory_space<vmem>>
        %dma_start3A_159 = arith.constant 0 : i32
        %dma_start3A_160 = arith.constant 0 : i32
        %dma_start3A_161 = tpu.memref_slice %arg3[%dma_start3A_159, %dma_start3A_160] : memref<8000000x4xf32, #tpu.memory_space<hbm>> -> memref<8000000x4xf32, #tpu.memory_space<hbm>>
        tpu.enqueue_indirect_dma source(%dma_start3A_161 : memref<8000000x4xf32, #tpu.memory_space<hbm>>) target(%dma_start3A_157 : memref<128x4xf32, #tpu.memory_space<vmem>>) offsets(%dma_start3A_158 : memref<128xi32, #tpu.memory_space<vmem>>) semaphore(%arg10 : memref<!tpu.dma_semaphore, #tpu.memory_space<semaphore_mem>>)
        %mul3A_162 = arith.constant 8 : i32
        %mul3A_163 = arith.muli %scan3A_132, %mul3A_162 : i32
        %add3A_164 = arith.constant 2 : i32
        %add3A_165 = arith.addi %mul3A_163, %add3A_164 : i32
        %mul3A_166 = arith.constant 256 : i32
        %mul3A_167 = arith.muli %add3A_165, %mul3A_166 : i32
        %mul3A_168 = arith.constant 128 : i32
        %mul3A_169 = arith.muli %add3A_165, %mul3A_168 : i32
        %dma_start3A_170 = arith.constant 0 : i32
        %dma_start3A_171 = tpu.memref_slice %arg8[%mul3A_169, %dma_start3A_170] : memref<4736x4xf32, #tpu.memory_space<vmem>> -> memref<128x4xf32, #tpu.memory_space<vmem>>
        %dma_start3A_172 = tpu.memref_slice %arg6[%mul3A_167] : memref<9344xi32, #tpu.memory_space<vmem>> -> memref<128xi32, #tpu.memory_space<vmem>>
        %dma_start3A_173 = arith.constant 0 : i32
        %dma_start3A_174 = arith.constant 0 : i32
        %dma_start3A_175 = tpu.memref_slice %arg3[%dma_start3A_173, %dma_start3A_174] : memref<8000000x4xf32, #tpu.memory_space<hbm>> -> memref<8000000x4xf32, #tpu.memory_space<hbm>>
        tpu.enqueue_indirect_dma source(%dma_start3A_175 : memref<8000000x4xf32, #tpu.memory_space<hbm>>) target(%dma_start3A_171 : memref<128x4xf32, #tpu.memory_space<vmem>>) offsets(%dma_start3A_172 : memref<128xi32, #tpu.memory_space<vmem>>) semaphore(%arg10 : memref<!tpu.dma_semaphore, #tpu.memory_space<semaphore_mem>>)
        %mul3A_176 = arith.constant 8 : i32
        %mul3A_177 = arith.muli %scan3A_132, %mul3A_176 : i32
        %add3A_178 = arith.constant 3 : i32
        %add3A_179 = arith.addi %mul3A_177, %add3A_178 : i32
        %mul3A_180 = arith.constant 256 : i32
        %mul3A_181 = arith.muli %add3A_179, %mul3A_180 : i32
        %mul3A_182 = arith.constant 128 : i32
        %mul3A_183 = arith.muli %add3A_179, %mul3A_182 : i32
        %dma_start3A_184 = arith.constant 0 : i32
        %dma_start3A_185 = tpu.memref_slice %arg8[%mul3A_183, %dma_start3A_184] : memref<4736x4xf32, #tpu.memory_space<vmem>> -> memref<128x4xf32, #tpu.memory_space<vmem>>
        %dma_start3A_186 = tpu.memref_slice %arg6[%mul3A_181] : memref<9344xi32, #tpu.memory_space<vmem>> -> memref<128xi32, #tpu.memory_space<vmem>>
        %dma_start3A_187 = arith.constant 0 : i32
        %dma_start3A_188 = arith.constant 0 : i32
        %dma_start3A_189 = tpu.memref_slice %arg3[%dma_start3A_187, %dma_start3A_188] : memref<8000000x4xf32, #tpu.memory_space<hbm>> -> memref<8000000x4xf32, #tpu.memory_space<hbm>>
        tpu.enqueue_indirect_dma source(%dma_start3A_189 : memref<8000000x4xf32, #tpu.memory_space<hbm>>) target(%dma_start3A_185 : memref<128x4xf32, #tpu.memory_space<vmem>>) offsets(%dma_start3A_186 : memref<128xi32, #tpu.memory_space<vmem>>) semaphore(%arg10 : memref<!tpu.dma_semaphore, #tpu.memory_space<semaphore_mem>>)
        %mul3A_190 = arith.constant 8 : i32
        %mul3A_191 = arith.muli %scan3A_132, %mul3A_190 : i32
        %add3A_192 = arith.constant 4 : i32
        %add3A_193 = arith.addi %mul3A_191, %add3A_192 : i32
        %mul3A_194 = arith.constant 256 : i32
        %mul3A_195 = arith.muli %add3A_193, %mul3A_194 : i32
        %mul3A_196 = arith.constant 128 : i32
        %mul3A_197 = arith.muli %add3A_193, %mul3A_196 : i32
        %dma_start3A_198 = arith.constant 0 : i32
        %dma_start3A_199 = tpu.memref_slice %arg8[%mul3A_197, %dma_start3A_198] : memref<4736x4xf32, #tpu.memory_space<vmem>> -> memref<128x4xf32, #tpu.memory_space<vmem>>
        %dma_start3A_200 = tpu.memref_slice %arg6[%mul3A_195] : memref<9344xi32, #tpu.memory_space<vmem>> -> memref<128xi32, #tpu.memory_space<vmem>>
        %dma_start3A_201 = arith.constant 0 : i32
        %dma_start3A_202 = arith.constant 0 : i32
        %dma_start3A_203 = tpu.memref_slice %arg3[%dma_start3A_201, %dma_start3A_202] : memref<8000000x4xf32, #tpu.memory_space<hbm>> -> memref<8000000x4xf32, #tpu.memory_space<hbm>>
        tpu.enqueue_indirect_dma source(%dma_start3A_203 : memref<8000000x4xf32, #tpu.memory_space<hbm>>) target(%dma_start3A_199 : memref<128x4xf32, #tpu.memory_space<vmem>>) offsets(%dma_start3A_200 : memref<128xi32, #tpu.memory_space<vmem>>) semaphore(%arg10 : memref<!tpu.dma_semaphore, #tpu.memory_space<semaphore_mem>>)
        %mul3A_204 = arith.constant 8 : i32
        %mul3A_205 = arith.muli %scan3A_132, %mul3A_204 : i32
        %add3A_206 = arith.constant 5 : i32
        %add3A_207 = arith.addi %mul3A_205, %add3A_206 : i32
        %mul3A_208 = arith.constant 256 : i32
        %mul3A_209 = arith.muli %add3A_207, %mul3A_208 : i32
        %mul3A_210 = arith.constant 128 : i32
        %mul3A_211 = arith.muli %add3A_207, %mul3A_210 : i32
        %dma_start3A_212 = arith.constant 0 : i32
        %dma_start3A_213 = tpu.memref_slice %arg8[%mul3A_211, %dma_start3A_212] : memref<4736x4xf32, #tpu.memory_space<vmem>> -> memref<128x4xf32, #tpu.memory_space<vmem>>
        %dma_start3A_214 = tpu.memref_slice %arg6[%mul3A_209] : memref<9344xi32, #tpu.memory_space<vmem>> -> memref<128xi32, #tpu.memory_space<vmem>>
        %dma_start3A_215 = arith.constant 0 : i32
        %dma_start3A_216 = arith.constant 0 : i32
        %dma_start3A_217 = tpu.memref_slice %arg3[%dma_start3A_215, %dma_start3A_216] : memref<8000000x4xf32, #tpu.memory_space<hbm>> -> memref<8000000x4xf32, #tpu.memory_space<hbm>>
        tpu.enqueue_indirect_dma source(%dma_start3A_217 : memref<8000000x4xf32, #tpu.memory_space<hbm>>) target(%dma_start3A_213 : memref<128x4xf32, #tpu.memory_space<vmem>>) offsets(%dma_start3A_214 : memref<128xi32, #tpu.memory_space<vmem>>) semaphore(%arg10 : memref<!tpu.dma_semaphore, #tpu.memory_space<semaphore_mem>>)
        %mul3A_218 = arith.constant 8 : i32
        %mul3A_219 = arith.muli %scan3A_132, %mul3A_218 : i32
        %add3A_220 = arith.constant 6 : i32
        %add3A_221 = arith.addi %mul3A_219, %add3A_220 : i32
        %mul3A_222 = arith.constant 256 : i32
        %mul3A_223 = arith.muli %add3A_221, %mul3A_222 : i32
        %mul3A_224 = arith.constant 128 : i32
        %mul3A_225 = arith.muli %add3A_221, %mul3A_224 : i32
        %dma_start3A_226 = arith.constant 0 : i32
        %dma_start3A_227 = tpu.memref_slice %arg8[%mul3A_225, %dma_start3A_226] : memref<4736x4xf32, #tpu.memory_space<vmem>> -> memref<128x4xf32, #tpu.memory_space<vmem>>
        %dma_start3A_228 = tpu.memref_slice %arg6[%mul3A_223] : memref<9344xi32, #tpu.memory_space<vmem>> -> memref<128xi32, #tpu.memory_space<vmem>>
        %dma_start3A_229 = arith.constant 0 : i32
        %dma_start3A_230 = arith.constant 0 : i32
        %dma_start3A_231 = tpu.memref_slice %arg3[%dma_start3A_229, %dma_start3A_230] : memref<8000000x4xf32, #tpu.memory_space<hbm>> -> memref<8000000x4xf32, #tpu.memory_space<hbm>>
        tpu.enqueue_indirect_dma source(%dma_start3A_231 : memref<8000000x4xf32, #tpu.memory_space<hbm>>) target(%dma_start3A_227 : memref<128x4xf32, #tpu.memory_space<vmem>>) offsets(%dma_start3A_228 : memref<128xi32, #tpu.memory_space<vmem>>) semaphore(%arg10 : memref<!tpu.dma_semaphore, #tpu.memory_space<semaphore_mem>>)
        %mul3A_232 = arith.constant 8 : i32
        %mul3A_233 = arith.muli %scan3A_132, %mul3A_232 : i32
        %add3A_234 = arith.constant 7 : i32
        %add3A_235 = arith.addi %mul3A_233, %add3A_234 : i32
        %mul3A_236 = arith.constant 256 : i32
        %mul3A_237 = arith.muli %add3A_235, %mul3A_236 : i32
        %mul3A_238 = arith.constant 128 : i32
        %mul3A_239 = arith.muli %add3A_235, %mul3A_238 : i32
        %dma_start3A_240 = arith.constant 0 : i32
        %dma_start3A_241 = tpu.memref_slice %arg8[%mul3A_239, %dma_start3A_240] : memref<4736x4xf32, #tpu.memory_space<vmem>> -> memref<128x4xf32, #tpu.memory_space<vmem>>
        %dma_start3A_242 = tpu.memref_slice %arg6[%mul3A_237] : memref<9344xi32, #tpu.memory_space<vmem>> -> memref<128xi32, #tpu.memory_space<vmem>>
        %dma_start3A_243 = arith.constant 0 : i32
        %dma_start3A_244 = arith.constant 0 : i32
        %dma_start3A_245 = tpu.memref_slice %arg3[%dma_start3A_243, %dma_start3A_244] : memref<8000000x4xf32, #tpu.memory_space<hbm>> -> memref<8000000x4xf32, #tpu.memory_space<hbm>>
        tpu.enqueue_indirect_dma source(%dma_start3A_245 : memref<8000000x4xf32, #tpu.memory_space<hbm>>) target(%dma_start3A_241 : memref<128x4xf32, #tpu.memory_space<vmem>>) offsets(%dma_start3A_242 : memref<128xi32, #tpu.memory_space<vmem>>) semaphore(%arg10 : memref<!tpu.dma_semaphore, #tpu.memory_space<semaphore_mem>>)
        %mul3A_246 = arith.constant 8 : i32
        %mul3A_247 = arith.muli %scan3A_132, %mul3A_246 : i32
        %add3A_248 = arith.constant 0 : i32
        %add3A_249 = arith.addi %mul3A_247, %add3A_248 : i32
        %mul3A_250 = arith.constant 256 : i32
        %mul3A_251 = arith.muli %add3A_249, %mul3A_250 : i32
        %mul3A_252 = arith.constant 128 : i32
        %mul3A_253 = arith.muli %add3A_249, %mul3A_252 : i32
        %dma_wait3A_254 = arith.constant 0 : i32
        %dma_wait3A_255 = tpu.memref_slice %arg8[%mul3A_253, %dma_wait3A_254] : memref<4736x4xf32, #tpu.memory_space<vmem>> -> memref<128x4xf32, #tpu.memory_space<vmem>>
        %dma_wait3A_256 = tpu.memref_slice %arg6[%mul3A_251] : memref<9344xi32, #tpu.memory_space<vmem>> -> memref<128xi32, #tpu.memory_space<vmem>>
        %dma_wait3A_257 = arith.constant 0 : i32
        %dma_wait3A_258 = arith.constant 0 : i32
        %dma_wait3A_259 = tpu.memref_slice %arg3[%dma_wait3A_257, %dma_wait3A_258] : memref<8000000x4xf32, #tpu.memory_space<hbm>> -> memref<8000000x4xf32, #tpu.memory_space<hbm>>
        tpu.wait_indirect_dma semaphore(%arg10 : memref<!tpu.dma_semaphore, #tpu.memory_space<semaphore_mem>>) src(%dma_wait3A_259 : memref<8000000x4xf32, #tpu.memory_space<hbm>>) dst(%dma_wait3A_255 : memref<128x4xf32, #tpu.memory_space<vmem>>)
        %mul3A_260 = arith.constant 8 : i32
        %mul3A_261 = arith.muli %scan3A_132, %mul3A_260 : i32
        %add3A_262 = arith.constant 1 : i32
        %add3A_263 = arith.addi %mul3A_261, %add3A_262 : i32
        %mul3A_264 = arith.constant 256 : i32
        %mul3A_265 = arith.muli %add3A_263, %mul3A_264 : i32
        %mul3A_266 = arith.constant 128 : i32
        %mul3A_267 = arith.muli %add3A_263, %mul3A_266 : i32
        %dma_wait3A_268 = arith.constant 0 : i32
        %dma_wait3A_269 = tpu.memref_slice %arg8[%mul3A_267, %dma_wait3A_268] : memref<4736x4xf32, #tpu.memory_space<vmem>> -> memref<128x4xf32, #tpu.memory_space<vmem>>
        %dma_wait3A_270 = tpu.memref_slice %arg6[%mul3A_265] : memref<9344xi32, #tpu.memory_space<vmem>> -> memref<128xi32, #tpu.memory_space<vmem>>
        %dma_wait3A_271 = arith.constant 0 : i32
        %dma_wait3A_272 = arith.constant 0 : i32
        %dma_wait3A_273 = tpu.memref_slice %arg3[%dma_wait3A_271, %dma_wait3A_272] : memref<8000000x4xf32, #tpu.memory_space<hbm>> -> memref<8000000x4xf32, #tpu.memory_space<hbm>>
        tpu.wait_indirect_dma semaphore(%arg10 : memref<!tpu.dma_semaphore, #tpu.memory_space<semaphore_mem>>) src(%dma_wait3A_273 : memref<8000000x4xf32, #tpu.memory_space<hbm>>) dst(%dma_wait3A_269 : memref<128x4xf32, #tpu.memory_space<vmem>>)
        %mul3A_274 = arith.constant 8 : i32
        %mul3A_275 = arith.muli %scan3A_132, %mul3A_274 : i32
        %add3A_276 = arith.constant 2 : i32
        %add3A_277 = arith.addi %mul3A_275, %add3A_276 : i32
        %mul3A_278 = arith.constant 256 : i32
        %mul3A_279 = arith.muli %add3A_277, %mul3A_278 : i32
        %mul3A_280 = arith.constant 128 : i32
        %mul3A_281 = arith.muli %add3A_277, %mul3A_280 : i32
        %dma_wait3A_282 = arith.constant 0 : i32
        %dma_wait3A_283 = tpu.memref_slice %arg8[%mul3A_281, %dma_wait3A_282] : memref<4736x4xf32, #tpu.memory_space<vmem>> -> memref<128x4xf32, #tpu.memory_space<vmem>>
        %dma_wait3A_284 = tpu.memref_slice %arg6[%mul3A_279] : memref<9344xi32, #tpu.memory_space<vmem>> -> memref<128xi32, #tpu.memory_space<vmem>>
        %dma_wait3A_285 = arith.constant 0 : i32
        %dma_wait3A_286 = arith.constant 0 : i32
        %dma_wait3A_287 = tpu.memref_slice %arg3[%dma_wait3A_285, %dma_wait3A_286] : memref<8000000x4xf32, #tpu.memory_space<hbm>> -> memref<8000000x4xf32, #tpu.memory_space<hbm>>
        tpu.wait_indirect_dma semaphore(%arg10 : memref<!tpu.dma_semaphore, #tpu.memory_space<semaphore_mem>>) src(%dma_wait3A_287 : memref<8000000x4xf32, #tpu.memory_space<hbm>>) dst(%dma_wait3A_283 : memref<128x4xf32, #tpu.memory_space<vmem>>)
        %mul3A_288 = arith.constant 8 : i32
        %mul3A_289 = arith.muli %scan3A_132, %mul3A_288 : i32
        %add3A_290 = arith.constant 3 : i32
        %add3A_291 = arith.addi %mul3A_289, %add3A_290 : i32
        %mul3A_292 = arith.constant 256 : i32
        %mul3A_293 = arith.muli %add3A_291, %mul3A_292 : i32
        %mul3A_294 = arith.constant 128 : i32
        %mul3A_295 = arith.muli %add3A_291, %mul3A_294 : i32
        %dma_wait3A_296 = arith.constant 0 : i32
        %dma_wait3A_297 = tpu.memref_slice %arg8[%mul3A_295, %dma_wait3A_296] : memref<4736x4xf32, #tpu.memory_space<vmem>> -> memref<128x4xf32, #tpu.memory_space<vmem>>
        %dma_wait3A_298 = tpu.memref_slice %arg6[%mul3A_293] : memref<9344xi32, #tpu.memory_space<vmem>> -> memref<128xi32, #tpu.memory_space<vmem>>
        %dma_wait3A_299 = arith.constant 0 : i32
        %dma_wait3A_300 = arith.constant 0 : i32
        %dma_wait3A_301 = tpu.memref_slice %arg3[%dma_wait3A_299, %dma_wait3A_300] : memref<8000000x4xf32, #tpu.memory_space<hbm>> -> memref<8000000x4xf32, #tpu.memory_space<hbm>>
        tpu.wait_indirect_dma semaphore(%arg10 : memref<!tpu.dma_semaphore, #tpu.memory_space<semaphore_mem>>) src(%dma_wait3A_301 : memref<8000000x4xf32, #tpu.memory_space<hbm>>) dst(%dma_wait3A_297 : memref<128x4xf32, #tpu.memory_space<vmem>>)
        %mul3A_302 = arith.constant 8 : i32
        %mul3A_303 = arith.muli %scan3A_132, %mul3A_302 : i32
        %add3A_304 = arith.constant 4 : i32
        %add3A_305 = arith.addi %mul3A_303, %add3A_304 : i32
        %mul3A_306 = arith.constant 256 : i32
        %mul3A_307 = arith.muli %add3A_305, %mul3A_306 : i32
        %mul3A_308 = arith.constant 128 : i32
        %mul3A_309 = arith.muli %add3A_305, %mul3A_308 : i32
        %dma_wait3A_310 = arith.constant 0 : i32
        %dma_wait3A_311 = tpu.memref_slice %arg8[%mul3A_309, %dma_wait3A_310] : memref<4736x4xf32, #tpu.memory_space<vmem>> -> memref<128x4xf32, #tpu.memory_space<vmem>>
        %dma_wait3A_312 = tpu.memref_slice %arg6[%mul3A_307] : memref<9344xi32, #tpu.memory_space<vmem>> -> memref<128xi32, #tpu.memory_space<vmem>>
        %dma_wait3A_313 = arith.constant 0 : i32
        %dma_wait3A_314 = arith.constant 0 : i32
        %dma_wait3A_315 = tpu.memref_slice %arg3[%dma_wait3A_313, %dma_wait3A_314] : memref<8000000x4xf32, #tpu.memory_space<hbm>> -> memref<8000000x4xf32, #tpu.memory_space<hbm>>
        tpu.wait_indirect_dma semaphore(%arg10 : memref<!tpu.dma_semaphore, #tpu.memory_space<semaphore_mem>>) src(%dma_wait3A_315 : memref<8000000x4xf32, #tpu.memory_space<hbm>>) dst(%dma_wait3A_311 : memref<128x4xf32, #tpu.memory_space<vmem>>)
        %mul3A_316 = arith.constant 8 : i32
        %mul3A_317 = arith.muli %scan3A_132, %mul3A_316 : i32
        %add3A_318 = arith.constant 5 : i32
        %add3A_319 = arith.addi %mul3A_317, %add3A_318 : i32
        %mul3A_320 = arith.constant 256 : i32
        %mul3A_321 = arith.muli %add3A_319, %mul3A_320 : i32
        %mul3A_322 = arith.constant 128 : i32
        %mul3A_323 = arith.muli %add3A_319, %mul3A_322 : i32
        %dma_wait3A_324 = arith.constant 0 : i32
        %dma_wait3A_325 = tpu.memref_slice %arg8[%mul3A_323, %dma_wait3A_324] : memref<4736x4xf32, #tpu.memory_space<vmem>> -> memref<128x4xf32, #tpu.memory_space<vmem>>
        %dma_wait3A_326 = tpu.memref_slice %arg6[%mul3A_321] : memref<9344xi32, #tpu.memory_space<vmem>> -> memref<128xi32, #tpu.memory_space<vmem>>
        %dma_wait3A_327 = arith.constant 0 : i32
        %dma_wait3A_328 = arith.constant 0 : i32
        %dma_wait3A_329 = tpu.memref_slice %arg3[%dma_wait3A_327, %dma_wait3A_328] : memref<8000000x4xf32, #tpu.memory_space<hbm>> -> memref<8000000x4xf32, #tpu.memory_space<hbm>>
        tpu.wait_indirect_dma semaphore(%arg10 : memref<!tpu.dma_semaphore, #tpu.memory_space<semaphore_mem>>) src(%dma_wait3A_329 : memref<8000000x4xf32, #tpu.memory_space<hbm>>) dst(%dma_wait3A_325 : memref<128x4xf32, #tpu.memory_space<vmem>>)
        %mul3A_330 = arith.constant 8 : i32
        %mul3A_331 = arith.muli %scan3A_132, %mul3A_330 : i32
        %add3A_332 = arith.constant 6 : i32
        %add3A_333 = arith.addi %mul3A_331, %add3A_332 : i32
        %mul3A_334 = arith.constant 256 : i32
        %mul3A_335 = arith.muli %add3A_333, %mul3A_334 : i32
        %mul3A_336 = arith.constant 128 : i32
        %mul3A_337 = arith.muli %add3A_333, %mul3A_336 : i32
        %dma_wait3A_338 = arith.constant 0 : i32
        %dma_wait3A_339 = tpu.memref_slice %arg8[%mul3A_337, %dma_wait3A_338] : memref<4736x4xf32, #tpu.memory_space<vmem>> -> memref<128x4xf32, #tpu.memory_space<vmem>>
        %dma_wait3A_340 = tpu.memref_slice %arg6[%mul3A_335] : memref<9344xi32, #tpu.memory_space<vmem>> -> memref<128xi32, #tpu.memory_space<vmem>>
        %dma_wait3A_341 = arith.constant 0 : i32
        %dma_wait3A_342 = arith.constant 0 : i32
        %dma_wait3A_343 = tpu.memref_slice %arg3[%dma_wait3A_341, %dma_wait3A_342] : memref<8000000x4xf32, #tpu.memory_space<hbm>> -> memref<8000000x4xf32, #tpu.memory_space<hbm>>
        tpu.wait_indirect_dma semaphore(%arg10 : memref<!tpu.dma_semaphore, #tpu.memory_space<semaphore_mem>>) src(%dma_wait3A_343 : memref<8000000x4xf32, #tpu.memory_space<hbm>>) dst(%dma_wait3A_339 : memref<128x4xf32, #tpu.memory_space<vmem>>)
        %mul3A_344 = arith.constant 8 : i32
        %mul3A_345 = arith.muli %scan3A_132, %mul3A_344 : i32
        %add3A_346 = arith.constant 7 : i32
        %add3A_347 = arith.addi %mul3A_345, %add3A_346 : i32
        %mul3A_348 = arith.constant 256 : i32
        %mul3A_349 = arith.muli %add3A_347, %mul3A_348 : i32
        %mul3A_350 = arith.constant 128 : i32
        %mul3A_351 = arith.muli %add3A_347, %mul3A_350 : i32
        %dma_wait3A_352 = arith.constant 0 : i32
        %dma_wait3A_353 = tpu.memref_slice %arg8[%mul3A_351, %dma_wait3A_352] : memref<4736x4xf32, #tpu.memory_space<vmem>> -> memref<128x4xf32, #tpu.memory_space<vmem>>
        %dma_wait3A_354 = tpu.memref_slice %arg6[%mul3A_349] : memref<9344xi32, #tpu.memory_space<vmem>> -> memref<128xi32, #tpu.memory_space<vmem>>
        %dma_wait3A_355 = arith.constant 0 : i32
        %dma_wait3A_356 = arith.constant 0 : i32
        %dma_wait3A_357 = tpu.memref_slice %arg3[%dma_wait3A_355, %dma_wait3A_356] : memref<8000000x4xf32, #tpu.memory_space<hbm>> -> memref<8000000x4xf32, #tpu.memory_space<hbm>>
        tpu.wait_indirect_dma semaphore(%arg10 : memref<!tpu.dma_semaphore, #tpu.memory_space<semaphore_mem>>) src(%dma_wait3A_357 : memref<8000000x4xf32, #tpu.memory_space<hbm>>) dst(%dma_wait3A_353 : memref<128x4xf32, #tpu.memory_space<vmem>>)
        %scan3A_358 = arith.constant 0 : i32
        scf.yield %scan3A_358 : i32
      }
      %scan3A_43 = arith.constant 4 : i32
      %dma_start3A = arith.constant 4096 : i32
      %dma_start3A_44 = arith.constant 0 : i32
      %dma_start3A_45 = tpu.memref_slice %arg8[%dma_start3A, %dma_start3A_44] : memref<4736x4xf32, #tpu.memory_space<vmem>> -> memref<128x4xf32, #tpu.memory_space<vmem>>
      %dma_start3A_46 = arith.constant 8192 : i32
      %dma_start3A_47 = tpu.memref_slice %arg6[%dma_start3A_46] : memref<9344xi32, #tpu.memory_space<vmem>> -> memref<128xi32, #tpu.memory_space<vmem>>
      %dma_start3A_48 = arith.constant 0 : i32
      %dma_start3A_49 = arith.constant 0 : i32
      %dma_start3A_50 = tpu.memref_slice %arg3[%dma_start3A_48, %dma_start3A_49] : memref<8000000x4xf32, #tpu.memory_space<hbm>> -> memref<8000000x4xf32, #tpu.memory_space<hbm>>
      tpu.enqueue_indirect_dma source(%dma_start3A_50 : memref<8000000x4xf32, #tpu.memory_space<hbm>>) target(%dma_start3A_45 : memref<128x4xf32, #tpu.memory_space<vmem>>) offsets(%dma_start3A_47 : memref<128xi32, #tpu.memory_space<vmem>>) semaphore(%arg10 : memref<!tpu.dma_semaphore, #tpu.memory_space<semaphore_mem>>)
      %dma_start3A_51 = arith.constant 4224 : i32
      %dma_start3A_52 = arith.constant 0 : i32
      %dma_start3A_53 = tpu.memref_slice %arg8[%dma_start3A_51, %dma_start3A_52] : memref<4736x4xf32, #tpu.memory_space<vmem>> -> memref<128x4xf32, #tpu.memory_space<vmem>>
      %dma_start3A_54 = arith.constant 8448 : i32
      %dma_start3A_55 = tpu.memref_slice %arg6[%dma_start3A_54] : memref<9344xi32, #tpu.memory_space<vmem>> -> memref<128xi32, #tpu.memory_space<vmem>>
      %dma_start3A_56 = arith.constant 0 : i32
      %dma_start3A_57 = arith.constant 0 : i32
      %dma_start3A_58 = tpu.memref_slice %arg3[%dma_start3A_56, %dma_start3A_57] : memref<8000000x4xf32, #tpu.memory_space<hbm>> -> memref<8000000x4xf32, #tpu.memory_space<hbm>>
      tpu.enqueue_indirect_dma source(%dma_start3A_58 : memref<8000000x4xf32, #tpu.memory_space<hbm>>) target(%dma_start3A_53 : memref<128x4xf32, #tpu.memory_space<vmem>>) offsets(%dma_start3A_55 : memref<128xi32, #tpu.memory_space<vmem>>) semaphore(%arg10 : memref<!tpu.dma_semaphore, #tpu.memory_space<semaphore_mem>>)
      %dma_start3A_59 = arith.constant 4352 : i32
      %dma_start3A_60 = arith.constant 0 : i32
      %dma_start3A_61 = tpu.memref_slice %arg8[%dma_start3A_59, %dma_start3A_60] : memref<4736x4xf32, #tpu.memory_space<vmem>> -> memref<128x4xf32, #tpu.memory_space<vmem>>
      %dma_start3A_62 = arith.constant 8704 : i32
      %dma_start3A_63 = tpu.memref_slice %arg6[%dma_start3A_62] : memref<9344xi32, #tpu.memory_space<vmem>> -> memref<128xi32, #tpu.memory_space<vmem>>
      %dma_start3A_64 = arith.constant 0 : i32
      %dma_start3A_65 = arith.constant 0 : i32
      %dma_start3A_66 = tpu.memref_slice %arg3[%dma_start3A_64, %dma_start3A_65] : memref<8000000x4xf32, #tpu.memory_space<hbm>> -> memref<8000000x4xf32, #tpu.memory_space<hbm>>
      tpu.enqueue_indirect_dma source(%dma_start3A_66 : memref<8000000x4xf32, #tpu.memory_space<hbm>>) target(%dma_start3A_61 : memref<128x4xf32, #tpu.memory_space<vmem>>) offsets(%dma_start3A_63 : memref<128xi32, #tpu.memory_space<vmem>>) semaphore(%arg10 : memref<!tpu.dma_semaphore, #tpu.memory_space<semaphore_mem>>)
      %dma_start3A_67 = arith.constant 4480 : i32
      %dma_start3A_68 = arith.constant 0 : i32
      %dma_start3A_69 = tpu.memref_slice %arg8[%dma_start3A_67, %dma_start3A_68] : memref<4736x4xf32, #tpu.memory_space<vmem>> -> memref<128x4xf32, #tpu.memory_space<vmem>>
      %dma_start3A_70 = arith.constant 8960 : i32
      %dma_start3A_71 = tpu.memref_slice %arg6[%dma_start3A_70] : memref<9344xi32, #tpu.memory_space<vmem>> -> memref<128xi32, #tpu.memory_space<vmem>>
      %dma_start3A_72 = arith.constant 0 : i32
      %dma_start3A_73 = arith.constant 0 : i32
      %dma_start3A_74 = tpu.memref_slice %arg3[%dma_start3A_72, %dma_start3A_73] : memref<8000000x4xf32, #tpu.memory_space<hbm>> -> memref<8000000x4xf32, #tpu.memory_space<hbm>>
      tpu.enqueue_indirect_dma source(%dma_start3A_74 : memref<8000000x4xf32, #tpu.memory_space<hbm>>) target(%dma_start3A_69 : memref<128x4xf32, #tpu.memory_space<vmem>>) offsets(%dma_start3A_71 : memref<128xi32, #tpu.memory_space<vmem>>) semaphore(%arg10 : memref<!tpu.dma_semaphore, #tpu.memory_space<semaphore_mem>>)
      %dma_start3A_75 = arith.constant 4608 : i32
      %dma_start3A_76 = arith.constant 0 : i32
      %dma_start3A_77 = tpu.memref_slice %arg8[%dma_start3A_75, %dma_start3A_76] : memref<4736x4xf32, #tpu.memory_space<vmem>> -> memref<128x4xf32, #tpu.memory_space<vmem>>
      %dma_start3A_78 = arith.constant 9216 : i32
      %dma_start3A_79 = tpu.memref_slice %arg6[%dma_start3A_78] : memref<9344xi32, #tpu.memory_space<vmem>> -> memref<128xi32, #tpu.memory_space<vmem>>
      %dma_start3A_80 = arith.constant 0 : i32
      %dma_start3A_81 = arith.constant 0 : i32
      %dma_start3A_82 = tpu.memref_slice %arg3[%dma_start3A_80, %dma_start3A_81] : memref<8000000x4xf32, #tpu.memory_space<hbm>> -> memref<8000000x4xf32, #tpu.memory_space<hbm>>
      tpu.enqueue_indirect_dma source(%dma_start3A_82 : memref<8000000x4xf32, #tpu.memory_space<hbm>>) target(%dma_start3A_77 : memref<128x4xf32, #tpu.memory_space<vmem>>) offsets(%dma_start3A_79 : memref<128xi32, #tpu.memory_space<vmem>>) semaphore(%arg10 : memref<!tpu.dma_semaphore, #tpu.memory_space<semaphore_mem>>)
      %dma_wait3A = arith.constant 4096 : i32
      %dma_wait3A_83 = arith.constant 0 : i32
      %dma_wait3A_84 = tpu.memref_slice %arg8[%dma_wait3A, %dma_wait3A_83] : memref<4736x4xf32, #tpu.memory_space<vmem>> -> memref<128x4xf32, #tpu.memory_space<vmem>>
      %dma_wait3A_85 = arith.constant 8192 : i32
      %dma_wait3A_86 = tpu.memref_slice %arg6[%dma_wait3A_85] : memref<9344xi32, #tpu.memory_space<vmem>> -> memref<128xi32, #tpu.memory_space<vmem>>
      %dma_wait3A_87 = arith.constant 0 : i32
      %dma_wait3A_88 = arith.constant 0 : i32
      %dma_wait3A_89 = tpu.memref_slice %arg3[%dma_wait3A_87, %dma_wait3A_88] : memref<8000000x4xf32, #tpu.memory_space<hbm>> -> memref<8000000x4xf32, #tpu.memory_space<hbm>>
      tpu.wait_indirect_dma semaphore(%arg10 : memref<!tpu.dma_semaphore, #tpu.memory_space<semaphore_mem>>) src(%dma_wait3A_89 : memref<8000000x4xf32, #tpu.memory_space<hbm>>) dst(%dma_wait3A_84 : memref<128x4xf32, #tpu.memory_space<vmem>>)
      %dma_wait3A_90 = arith.constant 4224 : i32
      %dma_wait3A_91 = arith.constant 0 : i32
      %dma_wait3A_92 = tpu.memref_slice %arg8[%dma_wait3A_90, %dma_wait3A_91] : memref<4736x4xf32, #tpu.memory_space<vmem>> -> memref<128x4xf32, #tpu.memory_space<vmem>>
      %dma_wait3A_93 = arith.constant 8448 : i32
      %dma_wait3A_94 = tpu.memref_slice %arg6[%dma_wait3A_93] : memref<9344xi32, #tpu.memory_space<vmem>> -> memref<128xi32, #tpu.memory_space<vmem>>
      %dma_wait3A_95 = arith.constant 0 : i32
      %dma_wait3A_96 = arith.constant 0 : i32
      %dma_wait3A_97 = tpu.memref_slice %arg3[%dma_wait3A_95, %dma_wait3A_96] : memref<8000000x4xf32, #tpu.memory_space<hbm>> -> memref<8000000x4xf32, #tpu.memory_space<hbm>>
      tpu.wait_indirect_dma semaphore(%arg10 : memref<!tpu.dma_semaphore, #tpu.memory_space<semaphore_mem>>) src(%dma_wait3A_97 : memref<8000000x4xf32, #tpu.memory_space<hbm>>) dst(%dma_wait3A_92 : memref<128x4xf32, #tpu.memory_space<vmem>>)
      %dma_wait3A_98 = arith.constant 4352 : i32
      %dma_wait3A_99 = arith.constant 0 : i32
      %dma_wait3A_100 = tpu.memref_slice %arg8[%dma_wait3A_98, %dma_wait3A_99] : memref<4736x4xf32, #tpu.memory_space<vmem>> -> memref<128x4xf32, #tpu.memory_space<vmem>>
      %dma_wait3A_101 = arith.constant 8704 : i32
      %dma_wait3A_102 = tpu.memref_slice %arg6[%dma_wait3A_101] : memref<9344xi32, #tpu.memory_space<vmem>> -> memref<128xi32, #tpu.memory_space<vmem>>
      %dma_wait3A_103 = arith.constant 0 : i32
      %dma_wait3A_104 = arith.constant 0 : i32
      %dma_wait3A_105 = tpu.memref_slice %arg3[%dma_wait3A_103, %dma_wait3A_104] : memref<8000000x4xf32, #tpu.memory_space<hbm>> -> memref<8000000x4xf32, #tpu.memory_space<hbm>>
      tpu.wait_indirect_dma semaphore(%arg10 : memref<!tpu.dma_semaphore, #tpu.memory_space<semaphore_mem>>) src(%dma_wait3A_105 : memref<8000000x4xf32, #tpu.memory_space<hbm>>) dst(%dma_wait3A_100 : memref<128x4xf32, #tpu.memory_space<vmem>>)
      %dma_wait3A_106 = arith.constant 4480 : i32
      %dma_wait3A_107 = arith.constant 0 : i32
      %dma_wait3A_108 = tpu.memref_slice %arg8[%dma_wait3A_106, %dma_wait3A_107] : memref<4736x4xf32, #tpu.memory_space<vmem>> -> memref<128x4xf32, #tpu.memory_space<vmem>>
      %dma_wait3A_109 = arith.constant 8960 : i32
      %dma_wait3A_110 = tpu.memref_slice %arg6[%dma_wait3A_109] : memref<9344xi32, #tpu.memory_space<vmem>> -> memref<128xi32, #tpu.memory_space<vmem>>
      %dma_wait3A_111 = arith.constant 0 : i32
      %dma_wait3A_112 = arith.constant 0 : i32
      %dma_wait3A_113 = tpu.memref_slice %arg3[%dma_wait3A_111, %dma_wait3A_112] : memref<8000000x4xf32, #tpu.memory_space<hbm>> -> memref<8000000x4xf32, #tpu.memory_space<hbm>>
      tpu.wait_indirect_dma semaphore(%arg10 : memref<!tpu.dma_semaphore, #tpu.memory_space<semaphore_mem>>) src(%dma_wait3A_113 : memref<8000000x4xf32, #tpu.memory_space<hbm>>) dst(%dma_wait3A_108 : memref<128x4xf32, #tpu.memory_space<vmem>>)
      %dma_wait3A_114 = arith.constant 4608 : i32
      %dma_wait3A_115 = arith.constant 0 : i32
      %dma_wait3A_116 = tpu.memref_slice %arg8[%dma_wait3A_114, %dma_wait3A_115] : memref<4736x4xf32, #tpu.memory_space<vmem>> -> memref<128x4xf32, #tpu.memory_space<vmem>>
      %dma_wait3A_117 = arith.constant 9216 : i32
      %dma_wait3A_118 = tpu.memref_slice %arg6[%dma_wait3A_117] : memref<9344xi32, #tpu.memory_space<vmem>> -> memref<128xi32, #tpu.memory_space<vmem>>
      %dma_wait3A_119 = arith.constant 0 : i32
      %dma_wait3A_120 = arith.constant 0 : i32
      %dma_wait3A_121 = tpu.memref_slice %arg3[%dma_wait3A_119, %dma_wait3A_120] : memref<8000000x4xf32, #tpu.memory_space<hbm>> -> memref<8000000x4xf32, #tpu.memory_space<hbm>>
      tpu.wait_indirect_dma semaphore(%arg10 : memref<!tpu.dma_semaphore, #tpu.memory_space<semaphore_mem>>) src(%dma_wait3A_121 : memref<8000000x4xf32, #tpu.memory_space<hbm>>) dst(%dma_wait3A_116 : memref<128x4xf32, #tpu.memory_space<vmem>>)
      %scan3A_122 = arith.constant 0 : i32
      %scan3A_123 = arith.constant 0 : i32
      %scan3A_124 = arith.constant 32 : i32
      %scan3A_125 = arith.addi %scan3A_123, %scan3A_124 : i32
      %scan3A_126 = arith.constant 1 : i32
      %scan3A_127 = scf.for %scan3A_132 = %scan3A_123 to %scan3A_125 step %scan3A_126 iter_args(%scan3A_133 = %scan3A_122) -> (i32)  : i32 {
        %mul3A_134 = arith.constant 16 : i32
        %mul3A_135 = arith.muli %scan3A_132, %mul3A_134 : i32
        %mul3A_136 = arith.constant 128 : i32
        %mul3A_137 = arith.muli %scan3A_132, %mul3A_136 : i32
        %add3A_138 = arith.constant 0 : i32
        %add3A_139 = arith.addi %mul3A_137, %add3A_138 : i32
        %get3A = arith.index_cast %add3A_139 : i32 to index
        %get3A_140 = tpu.vector_load %arg7[%get3A] {strides = array<i32>} : memref<4096xf32, #tpu.memory_space<vmem>>, vector<16xf32>,
        %add3A_141 = arith.constant 16 : i32
        %add3A_142 = arith.addi %mul3A_137, %add3A_141 : i32
        %get3A_143 = arith.index_cast %add3A_142 : i32 to index
        %get3A_144 = tpu.vector_load %arg7[%get3A_143] {strides = array<i32>} : memref<4096xf32, #tpu.memory_space<vmem>>, vector<16xf32>,
        %add3A_145 = arith.constant 32 : i32
        %add3A_146 = arith.addi %mul3A_137, %add3A_145 : i32
        %get3A_147 = arith.index_cast %add3A_146 : i32 to index
        %get3A_148 = tpu.vector_load %arg7[%get3A_147] {strides = array<i32>} : memref<4096xf32, #tpu.memory_space<vmem>>, vector<16xf32>,
        %add3A_149 = arith.constant 48 : i32
        %add3A_150 = arith.addi %mul3A_137, %add3A_149 : i32
        %get3A_151 = arith.index_cast %add3A_150 : i32 to index
        %get3A_152 = tpu.vector_load %arg7[%get3A_151] {strides = array<i32>} : memref<4096xf32, #tpu.memory_space<vmem>>, vector<16xf32>,
        %add3A_153 = arith.constant 64 : i32
        %add3A_154 = arith.addi %mul3A_137, %add3A_153 : i32
        %get3A_155 = arith.index_cast %add3A_154 : i32 to index
        %get3A_156 = tpu.vector_load %arg7[%get3A_155] {strides = array<i32>} : memref<4096xf32, #tpu.memory_space<vmem>>, vector<16xf32>,
        %add3A_157 = arith.constant 80 : i32
        %add3A_158 = arith.addi %mul3A_137, %add3A_157 : i32
        %get3A_159 = arith.index_cast %add3A_158 : i32 to index
        %get3A_160 = tpu.vector_load %arg7[%get3A_159] {strides = array<i32>} : memref<4096xf32, #tpu.memory_space<vmem>>, vector<16xf32>,
        %add3A_161 = arith.constant 96 : i32
        %add3A_162 = arith.addi %mul3A_137, %add3A_161 : i32
        %get3A_163 = arith.index_cast %add3A_162 : i32 to index
        %get3A_164 = tpu.vector_load %arg7[%get3A_163] {strides = array<i32>} : memref<4096xf32, #tpu.memory_space<vmem>>, vector<16xf32>,
        %add3A_165 = arith.constant 112 : i32
        %add3A_166 = arith.addi %mul3A_137, %add3A_165 : i32
        %get3A_167 = arith.index_cast %add3A_166 : i32 to index
        %get3A_168 = tpu.vector_load %arg7[%get3A_167] {strides = array<i32>} : memref<4096xf32, #tpu.memory_space<vmem>>, vector<16xf32>,
        %mul3A_169 = arith.constant 16 : i32
        %mul3A_170 = arith.muli %scan3A_132, %mul3A_169 : i32
        %add3A_171 = arith.constant 4096 : i32
        %add3A_172 = arith.addi %add3A_171, %mul3A_170 : i32
        %add3A_173 = vector.broadcast %add3A_172 : i32 to vector<16xi32>
        %add3A_174 = arith.addi %add3A_173, %iota3A : vector<16xi32>
        %jit3A = arith.constant 8 : i32
        %div3A = arith.divsi %scan3A_132, %jit3A : i32
        %sign3A = arith.constant 0 : i32
        %sign3A_175 = arith.cmpi sgt, %scan3A_132, %sign3A : i32
        %sign3A_176 = arith.extui %sign3A_175 : i1 to i32
        %sign3A_177 = arith.constant 0 : i32
        %sign3A_178 = arith.cmpi slt, %scan3A_132, %sign3A_177 : i32
        %sign3A_179 = arith.extui %sign3A_178 : i1 to i32
        %sign3A_180 = arith.subi %sign3A_176, %sign3A_179 : i32
        %sign3A_181 = arith.constant 0 : i32
        %sign3A_182 = arith.cmpi sgt, %jit3A, %sign3A_181 : i32
        %sign3A_183 = arith.extui %sign3A_182 : i1 to i32
        %sign3A_184 = arith.constant 0 : i32
        %sign3A_185 = arith.cmpi slt, %jit3A, %sign3A_184 : i32
        %sign3A_186 = arith.extui %sign3A_185 : i1 to i32
        %sign3A_187 = arith.subi %sign3A_183, %sign3A_186 : i32
        %ne3A = arith.cmpi ne, %sign3A_180, %sign3A_187 : i32
        %rem3A = arith.remsi %scan3A_132, %jit3A : i32
        %ne3A_188 = arith.constant 0 : i32
        %ne3A_189 = arith.cmpi ne, %rem3A, %ne3A_188 : i32
        %and3A = arith.andi %ne3A, %ne3A_189 : i1
        %sub3A = arith.constant 1 : i32
        %sub3A_190 = arith.subi %div3A, %sub3A : i32
        %select_n3A = arith.select %and3A, %sub3A_190, %div3A : i32
        %mul3A_191 = arith.constant 16 : i32
        %mul3A_192 = arith.muli %select_n3A, %mul3A_191 : i32
        %add3A_193 = arith.constant 4608 : i32
        %add3A_194 = arith.addi %add3A_193, %mul3A_192 : i32
        %add3A_195 = vector.broadcast %add3A_194 : i32 to vector<16xi32>
        %add3A_196 = arith.addi %add3A_195, %iota3A : vector<16xi32>
        %lt3A = arith.constant 14 : i32
        %lt3A_197 = vector.broadcast %lt3A : i32 to vector<16xi32>
        %lt3A_198 = arith.cmpi slt, %iota3A, %lt3A_197 : vector<16xi32>
        %add3A_199 = arith.constant 112 : i32
        %add3A_200 = arith.addi %mul3A_137, %add3A_199 : i32
        %add3A_201 = vector.broadcast %add3A_200 : i32 to vector<16xi32>
        %add3A_202 = arith.addi %add3A_201, %iota3A : vector<16xi32>
        %jit3A_203 = arith.constant 8 : i32
        %eq3A = arith.constant 0 : i32
        %eq3A_204 = arith.cmpi eq, %jit3A_203, %eq3A : i32
        %jit3A_205 = arith.constant 1 : i32
        %select_n3A_206 = arith.select %eq3A_204, %jit3A_205, %jit3A_203 : i32
        %rem3A_207 = arith.remsi %scan3A_132, %select_n3A_206 : i32
        %ne3A_208 = arith.constant 0 : i32
        %ne3A_209 = arith.cmpi ne, %rem3A_207, %ne3A_208 : i32
        %lt3A_210 = arith.constant 0 : i32
        %lt3A_211 = arith.cmpi slt, %rem3A_207, %lt3A_210 : i32
        %lt3A_212 = arith.constant 0 : i32
        %lt3A_213 = arith.cmpi slt, %select_n3A_206, %lt3A_212 : i32
        %ne3A_214 = arith.xori %lt3A_211, %lt3A_213 : i1
        %and3A_215 = arith.andi %ne3A_214, %ne3A_209 : i1
        %add3A_216 = arith.addi %rem3A_207, %select_n3A_206 : i32
        %select_n3A_217 = arith.select %and3A_215, %add3A_216, %rem3A_207 : i32
        %eq3A_218 = arith.constant 7 : i32
        %eq3A_219 = arith.cmpi eq, %select_n3A_217, %eq3A_218 : i32
        %select_n3A_220 = arith.select %eq3A_219, %add3A_196, %add3A_174 : vector<16xi32>
        %select_n3A_221 = arith.select %lt3A_198, %add3A_202, %select_n3A_220 : vector<16xi1>, vector<16xi32>
        %broadcast_in_dim3A_222 = arith.constant 0 : i32
        %broadcast_in_dim3A_223 = vector.broadcast %broadcast_in_dim3A_222 : i32 to vector<16xi32>
        %add3A_224 = vector.broadcast %mul3A_137 : i32 to vector<16xi32>
        %add3A_225 = arith.addi %add3A_224, %iota3A : vector<16xi32>
        %gather3A = tpu.vector_load_idx %arg8[%add3A_225, %broadcast_in_dim3A_223] : memref<4736x4xf32, #tpu.memory_space<vmem>>[vector<16xi32>, vector<16xi32>], vector<16xf32>,
        %mul3A_226 = arith.mulf %get3A_140, %gather3A : vector<16xf32>
        %add3A_227 = arith.constant 16 : i32
        %add3A_228 = arith.addi %mul3A_137, %add3A_227 : i32
        %add3A_229 = vector.broadcast %add3A_228 : i32 to vector<16xi32>
        %add3A_230 = arith.addi %add3A_229, %iota3A : vector<16xi32>
        %gather3A_231 = tpu.vector_load_idx %arg8[%add3A_230, %broadcast_in_dim3A_223] : memref<4736x4xf32, #tpu.memory_space<vmem>>[vector<16xi32>, vector<16xi32>], vector<16xf32>,
        %mul3A_232 = arith.mulf %get3A_144, %gather3A_231 : vector<16xf32>
        %add3A_233 = arith.addf %mul3A_226, %mul3A_232 : vector<16xf32>
        %add3A_234 = arith.constant 32 : i32
        %add3A_235 = arith.addi %mul3A_137, %add3A_234 : i32
        %add3A_236 = vector.broadcast %add3A_235 : i32 to vector<16xi32>
        %add3A_237 = arith.addi %add3A_236, %iota3A : vector<16xi32>
        %gather3A_238 = tpu.vector_load_idx %arg8[%add3A_237, %broadcast_in_dim3A_223] : memref<4736x4xf32, #tpu.memory_space<vmem>>[vector<16xi32>, vector<16xi32>], vector<16xf32>,
        %mul3A_239 = arith.mulf %get3A_148, %gather3A_238 : vector<16xf32>
        %add3A_240 = arith.addf %add3A_233, %mul3A_239 : vector<16xf32>
        %add3A_241 = arith.constant 48 : i32
        %add3A_242 = arith.addi %mul3A_137, %add3A_241 : i32
        %add3A_243 = vector.broadcast %add3A_242 : i32 to vector<16xi32>
        %add3A_244 = arith.addi %add3A_243, %iota3A : vector<16xi32>
        %gather3A_245 = tpu.vector_load_idx %arg8[%add3A_244, %broadcast_in_dim3A_223] : memref<4736x4xf32, #tpu.memory_space<vmem>>[vector<16xi32>, vector<16xi32>], vector<16xf32>,
        %mul3A_246 = arith.mulf %get3A_152, %gather3A_245 : vector<16xf32>
        %add3A_247 = arith.addf %add3A_240, %mul3A_246 : vector<16xf32>
        %add3A_248 = arith.constant 64 : i32
        %add3A_249 = arith.addi %mul3A_137, %add3A_248 : i32
        %add3A_250 = vector.broadcast %add3A_249 : i32 to vector<16xi32>
        %add3A_251 = arith.addi %add3A_250, %iota3A : vector<16xi32>
        %gather3A_252 = tpu.vector_load_idx %arg8[%add3A_251, %broadcast_in_dim3A_223] : memref<4736x4xf32, #tpu.memory_space<vmem>>[vector<16xi32>, vector<16xi32>], vector<16xf32>,
        %mul3A_253 = arith.mulf %get3A_156, %gather3A_252 : vector<16xf32>
        %add3A_254 = arith.addf %add3A_247, %mul3A_253 : vector<16xf32>
        %add3A_255 = arith.constant 80 : i32
        %add3A_256 = arith.addi %mul3A_137, %add3A_255 : i32
        %add3A_257 = vector.broadcast %add3A_256 : i32 to vector<16xi32>
        %add3A_258 = arith.addi %add3A_257, %iota3A : vector<16xi32>
        %gather3A_259 = tpu.vector_load_idx %arg8[%add3A_258, %broadcast_in_dim3A_223] : memref<4736x4xf32, #tpu.memory_space<vmem>>[vector<16xi32>, vector<16xi32>], vector<16xf32>,
        %mul3A_260 = arith.mulf %get3A_160, %gather3A_259 : vector<16xf32>
        %add3A_261 = arith.addf %add3A_254, %mul3A_260 : vector<16xf32>
        %add3A_262 = arith.constant 96 : i32
        %add3A_263 = arith.addi %mul3A_137, %add3A_262 : i32
        %add3A_264 = vector.broadcast %add3A_263 : i32 to vector<16xi32>
        %add3A_265 = arith.addi %add3A_264, %iota3A : vector<16xi32>
        %gather3A_266 = tpu.vector_load_idx %arg8[%add3A_265, %broadcast_in_dim3A_223] : memref<4736x4xf32, #tpu.memory_space<vmem>>[vector<16xi32>, vector<16xi32>], vector<16xf32>,
        %mul3A_267 = arith.mulf %get3A_164, %gather3A_266 : vector<16xf32>
        %add3A_268 = arith.addf %add3A_261, %mul3A_267 : vector<16xf32>
        %gather3A_269 = tpu.vector_load_idx %arg8[%select_n3A_221, %broadcast_in_dim3A_223] : memref<4736x4xf32, #tpu.memory_space<vmem>>[vector<16xi32>, vector<16xi32>], vector<16xf32>,
        %mul3A_270 = arith.mulf %get3A_168, %gather3A_269 : vector<16xf32>
        %add3A_271 = arith.addf %add3A_268, %mul3A_270 : vector<16xf32>
        %mul3A_272 = arith.constant 7 : i32
        %mul3A_273 = arith.muli %mul3A_135, %mul3A_272 : i32
        %add3A_274 = vector.broadcast %mul3A_273 : i32 to vector<16xi32>
        %add3A_275 = arith.addi %mul3A_8, %add3A_274 : vector<16xi32>
        %add3A_276 = arith.constant 3 : i32
        %add3A_277 = vector.broadcast %add3A_276 : i32 to vector<16xi32>
        %add3A_278 = arith.addi %add3A_275, %add3A_277 : vector<16xi32>
        tpu.vector_store_idx %arg9[%add3A_278], %add3A_271 : memref<3584xf32, #tpu.memory_space<vmem>>[vector<16xi32>], vector<16xf32>,
        %broadcast_in_dim3A_279 = arith.constant 1 : i32
        %broadcast_in_dim3A_280 = vector.broadcast %broadcast_in_dim3A_279 : i32 to vector<16xi32>
        %add3A_281 = vector.broadcast %mul3A_137 : i32 to vector<16xi32>
        %add3A_282 = arith.addi %add3A_281, %iota3A : vector<16xi32>
        %gather3A_283 = tpu.vector_load_idx %arg8[%add3A_282, %broadcast_in_dim3A_280] : memref<4736x4xf32, #tpu.memory_space<vmem>>[vector<16xi32>, vector<16xi32>], vector<16xf32>,
        %mul3A_284 = arith.mulf %get3A_140, %gather3A_283 : vector<16xf32>
        %add3A_285 = arith.constant 16 : i32
        %add3A_286 = arith.addi %mul3A_137, %add3A_285 : i32
        %add3A_287 = vector.broadcast %add3A_286 : i32 to vector<16xi32>
        %add3A_288 = arith.addi %add3A_287, %iota3A : vector<16xi32>
        %gather3A_289 = tpu.vector_load_idx %arg8[%add3A_288, %broadcast_in_dim3A_280] : memref<4736x4xf32, #tpu.memory_space<vmem>>[vector<16xi32>, vector<16xi32>], vector<16xf32>,
        %mul3A_290 = arith.mulf %get3A_144, %gather3A_289 : vector<16xf32>
        %add3A_291 = arith.addf %mul3A_284, %mul3A_290 : vector<16xf32>
        %add3A_292 = arith.constant 32 : i32
        %add3A_293 = arith.addi %mul3A_137, %add3A_292 : i32
        %add3A_294 = vector.broadcast %add3A_293 : i32 to vector<16xi32>
        %add3A_295 = arith.addi %add3A_294, %iota3A : vector<16xi32>
        %gather3A_296 = tpu.vector_load_idx %arg8[%add3A_295, %broadcast_in_dim3A_280] : memref<4736x4xf32, #tpu.memory_space<vmem>>[vector<16xi32>, vector<16xi32>], vector<16xf32>,
        %mul3A_297 = arith.mulf %get3A_148, %gather3A_296 : vector<16xf32>
        %add3A_298 = arith.addf %add3A_291, %mul3A_297 : vector<16xf32>
        %add3A_299 = arith.constant 48 : i32
        %add3A_300 = arith.addi %mul3A_137, %add3A_299 : i32
        %add3A_301 = vector.broadcast %add3A_300 : i32 to vector<16xi32>
        %add3A_302 = arith.addi %add3A_301, %iota3A : vector<16xi32>
        %gather3A_303 = tpu.vector_load_idx %arg8[%add3A_302, %broadcast_in_dim3A_280] : memref<4736x4xf32, #tpu.memory_space<vmem>>[vector<16xi32>, vector<16xi32>], vector<16xf32>,
        %mul3A_304 = arith.mulf %get3A_152, %gather3A_303 : vector<16xf32>
        %add3A_305 = arith.addf %add3A_298, %mul3A_304 : vector<16xf32>
        %add3A_306 = arith.constant 64 : i32
        %add3A_307 = arith.addi %mul3A_137, %add3A_306 : i32
        %add3A_308 = vector.broadcast %add3A_307 : i32 to vector<16xi32>
        %add3A_309 = arith.addi %add3A_308, %iota3A : vector<16xi32>
        %gather3A_310 = tpu.vector_load_idx %arg8[%add3A_309, %broadcast_in_dim3A_280] : memref<4736x4xf32, #tpu.memory_space<vmem>>[vector<16xi32>, vector<16xi32>], vector<16xf32>,
        %mul3A_311 = arith.mulf %get3A_156, %gather3A_310 : vector<16xf32>
        %add3A_312 = arith.addf %add3A_305, %mul3A_311 : vector<16xf32>
        %add3A_313 = arith.constant 80 : i32
        %add3A_314 = arith.addi %mul3A_137, %add3A_313 : i32
        %add3A_315 = vector.broadcast %add3A_314 : i32 to vector<16xi32>
        %add3A_316 = arith.addi %add3A_315, %iota3A : vector<16xi32>
        %gather3A_317 = tpu.vector_load_idx %arg8[%add3A_316, %broadcast_in_dim3A_280] : memref<4736x4xf32, #tpu.memory_space<vmem>>[vector<16xi32>, vector<16xi32>], vector<16xf32>,
        %mul3A_318 = arith.mulf %get3A_160, %gather3A_317 : vector<16xf32>
        %add3A_319 = arith.addf %add3A_312, %mul3A_318 : vector<16xf32>
        %add3A_320 = arith.constant 96 : i32
        %add3A_321 = arith.addi %mul3A_137, %add3A_320 : i32
        %add3A_322 = vector.broadcast %add3A_321 : i32 to vector<16xi32>
        %add3A_323 = arith.addi %add3A_322, %iota3A : vector<16xi32>
        %gather3A_324 = tpu.vector_load_idx %arg8[%add3A_323, %broadcast_in_dim3A_280] : memref<4736x4xf32, #tpu.memory_space<vmem>>[vector<16xi32>, vector<16xi32>], vector<16xf32>,
        %mul3A_325 = arith.mulf %get3A_164, %gather3A_324 : vector<16xf32>
        %add3A_326 = arith.addf %add3A_319, %mul3A_325 : vector<16xf32>
        %gather3A_327 = tpu.vector_load_idx %arg8[%select_n3A_221, %broadcast_in_dim3A_280] : memref<4736x4xf32, #tpu.memory_space<vmem>>[vector<16xi32>, vector<16xi32>], vector<16xf32>,
        %mul3A_328 = arith.mulf %get3A_168, %gather3A_327 : vector<16xf32>
        %add3A_329 = arith.addf %add3A_326, %mul3A_328 : vector<16xf32>
        %mul3A_330 = arith.constant 7 : i32
        %mul3A_331 = arith.muli %mul3A_135, %mul3A_330 : i32
        %add3A_332 = vector.broadcast %mul3A_331 : i32 to vector<16xi32>
        %add3A_333 = arith.addi %mul3A_8, %add3A_332 : vector<16xi32>
        %add3A_334 = arith.constant 4 : i32
        %add3A_335 = vector.broadcast %add3A_334 : i32 to vector<16xi32>
        %add3A_336 = arith.addi %add3A_333, %add3A_335 : vector<16xi32>
        tpu.vector_store_idx %arg9[%add3A_336], %add3A_329 : memref<3584xf32, #tpu.memory_space<vmem>>[vector<16xi32>], vector<16xf32>,
        %broadcast_in_dim3A_337 = arith.constant 2 : i32
        %broadcast_in_dim3A_338 = vector.broadcast %broadcast_in_dim3A_337 : i32 to vector<16xi32>
        %add3A_339 = vector.broadcast %mul3A_137 : i32 to vector<16xi32>
        %add3A_340 = arith.addi %add3A_339, %iota3A : vector<16xi32>
        %gather3A_341 = tpu.vector_load_idx %arg8[%add3A_340, %broadcast_in_dim3A_338] : memref<4736x4xf32, #tpu.memory_space<vmem>>[vector<16xi32>, vector<16xi32>], vector<16xf32>,
        %mul3A_342 = arith.mulf %get3A_140, %gather3A_341 : vector<16xf32>
        %add3A_343 = arith.constant 16 : i32
        %add3A_344 = arith.addi %mul3A_137, %add3A_343 : i32
        %add3A_345 = vector.broadcast %add3A_344 : i32 to vector<16xi32>
        %add3A_346 = arith.addi %add3A_345, %iota3A : vector<16xi32>
        %gather3A_347 = tpu.vector_load_idx %arg8[%add3A_346, %broadcast_in_dim3A_338] : memref<4736x4xf32, #tpu.memory_space<vmem>>[vector<16xi32>, vector<16xi32>], vector<16xf32>,
        %mul3A_348 = arith.mulf %get3A_144, %gather3A_347 : vector<16xf32>
        %add3A_349 = arith.addf %mul3A_342, %mul3A_348 : vector<16xf32>
        %add3A_350 = arith.constant 32 : i32
        %add3A_351 = arith.addi %mul3A_137, %add3A_350 : i32
        %add3A_352 = vector.broadcast %add3A_351 : i32 to vector<16xi32>
        %add3A_353 = arith.addi %add3A_352, %iota3A : vector<16xi32>
        %gather3A_354 = tpu.vector_load_idx %arg8[%add3A_353, %broadcast_in_dim3A_338] : memref<4736x4xf32, #tpu.memory_space<vmem>>[vector<16xi32>, vector<16xi32>], vector<16xf32>,
        %mul3A_355 = arith.mulf %get3A_148, %gather3A_354 : vector<16xf32>
        %add3A_356 = arith.addf %add3A_349, %mul3A_355 : vector<16xf32>
        %add3A_357 = arith.constant 48 : i32
        %add3A_358 = arith.addi %mul3A_137, %add3A_357 : i32
        %add3A_359 = vector.broadcast %add3A_358 : i32 to vector<16xi32>
        %add3A_360 = arith.addi %add3A_359, %iota3A : vector<16xi32>
        %gather3A_361 = tpu.vector_load_idx %arg8[%add3A_360, %broadcast_in_dim3A_338] : memref<4736x4xf32, #tpu.memory_space<vmem>>[vector<16xi32>, vector<16xi32>], vector<16xf32>,
        %mul3A_362 = arith.mulf %get3A_152, %gather3A_361 : vector<16xf32>
        %add3A_363 = arith.addf %add3A_356, %mul3A_362 : vector<16xf32>
        %add3A_364 = arith.constant 64 : i32
        %add3A_365 = arith.addi %mul3A_137, %add3A_364 : i32
        %add3A_366 = vector.broadcast %add3A_365 : i32 to vector<16xi32>
        %add3A_367 = arith.addi %add3A_366, %iota3A : vector<16xi32>
        %gather3A_368 = tpu.vector_load_idx %arg8[%add3A_367, %broadcast_in_dim3A_338] : memref<4736x4xf32, #tpu.memory_space<vmem>>[vector<16xi32>, vector<16xi32>], vector<16xf32>,
        %mul3A_369 = arith.mulf %get3A_156, %gather3A_368 : vector<16xf32>
        %add3A_370 = arith.addf %add3A_363, %mul3A_369 : vector<16xf32>
        %add3A_371 = arith.constant 80 : i32
        %add3A_372 = arith.addi %mul3A_137, %add3A_371 : i32
        %add3A_373 = vector.broadcast %add3A_372 : i32 to vector<16xi32>
        %add3A_374 = arith.addi %add3A_373, %iota3A : vector<16xi32>
        %gather3A_375 = tpu.vector_load_idx %arg8[%add3A_374, %broadcast_in_dim3A_338] : memref<4736x4xf32, #tpu.memory_space<vmem>>[vector<16xi32>, vector<16xi32>], vector<16xf32>,
        %mul3A_376 = arith.mulf %get3A_160, %gather3A_375 : vector<16xf32>
        %add3A_377 = arith.addf %add3A_370, %mul3A_376 : vector<16xf32>
        %add3A_378 = arith.constant 96 : i32
        %add3A_379 = arith.addi %mul3A_137, %add3A_378 : i32
        %add3A_380 = vector.broadcast %add3A_379 : i32 to vector<16xi32>
        %add3A_381 = arith.addi %add3A_380, %iota3A : vector<16xi32>
        %gather3A_382 = tpu.vector_load_idx %arg8[%add3A_381, %broadcast_in_dim3A_338] : memref<4736x4xf32, #tpu.memory_space<vmem>>[vector<16xi32>, vector<16xi32>], vector<16xf32>,
        %mul3A_383 = arith.mulf %get3A_164, %gather3A_382 : vector<16xf32>
        %add3A_384 = arith.addf %add3A_377, %mul3A_383 : vector<16xf32>
        %gather3A_385 = tpu.vector_load_idx %arg8[%select_n3A_221, %broadcast_in_dim3A_338] : memref<4736x4xf32, #tpu.memory_space<vmem>>[vector<16xi32>, vector<16xi32>], vector<16xf32>,
        %mul3A_386 = arith.mulf %get3A_168, %gather3A_385 : vector<16xf32>
        %add3A_387 = arith.addf %add3A_384, %mul3A_386 : vector<16xf32>
        %mul3A_388 = arith.constant 7 : i32
        %mul3A_389 = arith.muli %mul3A_135, %mul3A_388 : i32
        %add3A_390 = vector.broadcast %mul3A_389 : i32 to vector<16xi32>
        %add3A_391 = arith.addi %mul3A_8, %add3A_390 : vector<16xi32>
        %add3A_392 = arith.constant 5 : i32
        %add3A_393 = vector.broadcast %add3A_392 : i32 to vector<16xi32>
        %add3A_394 = arith.addi %add3A_391, %add3A_393 : vector<16xi32>
        tpu.vector_store_idx %arg9[%add3A_394], %add3A_387 : memref<3584xf32, #tpu.memory_space<vmem>>[vector<16xi32>], vector<16xf32>,
        %broadcast_in_dim3A_395 = arith.constant 3 : i32
        %broadcast_in_dim3A_396 = vector.broadcast %broadcast_in_dim3A_395 : i32 to vector<16xi32>
        %add3A_397 = vector.broadcast %mul3A_137 : i32 to vector<16xi32>
        %add3A_398 = arith.addi %add3A_397, %iota3A : vector<16xi32>
        %gather3A_399 = tpu.vector_load_idx %arg8[%add3A_398, %broadcast_in_dim3A_396] : memref<4736x4xf32, #tpu.memory_space<vmem>>[vector<16xi32>, vector<16xi32>], vector<16xf32>,
        %mul3A_400 = arith.mulf %get3A_140, %gather3A_399 : vector<16xf32>
        %add3A_401 = arith.constant 16 : i32
        %add3A_402 = arith.addi %mul3A_137, %add3A_401 : i32
        %add3A_403 = vector.broadcast %add3A_402 : i32 to vector<16xi32>
        %add3A_404 = arith.addi %add3A_403, %iota3A : vector<16xi32>
        %gather3A_405 = tpu.vector_load_idx %arg8[%add3A_404, %broadcast_in_dim3A_396] : memref<4736x4xf32, #tpu.memory_space<vmem>>[vector<16xi32>, vector<16xi32>], vector<16xf32>,
        %mul3A_406 = arith.mulf %get3A_144, %gather3A_405 : vector<16xf32>
        %add3A_407 = arith.addf %mul3A_400, %mul3A_406 : vector<16xf32>
        %add3A_408 = arith.constant 32 : i32
        %add3A_409 = arith.addi %mul3A_137, %add3A_408 : i32
        %add3A_410 = vector.broadcast %add3A_409 : i32 to vector<16xi32>
        %add3A_411 = arith.addi %add3A_410, %iota3A : vector<16xi32>
        %gather3A_412 = tpu.vector_load_idx %arg8[%add3A_411, %broadcast_in_dim3A_396] : memref<4736x4xf32, #tpu.memory_space<vmem>>[vector<16xi32>, vector<16xi32>], vector<16xf32>,
        %mul3A_413 = arith.mulf %get3A_148, %gather3A_412 : vector<16xf32>
        %add3A_414 = arith.addf %add3A_407, %mul3A_413 : vector<16xf32>
        %add3A_415 = arith.constant 48 : i32
        %add3A_416 = arith.addi %mul3A_137, %add3A_415 : i32
        %add3A_417 = vector.broadcast %add3A_416 : i32 to vector<16xi32>
        %add3A_418 = arith.addi %add3A_417, %iota3A : vector<16xi32>
        %gather3A_419 = tpu.vector_load_idx %arg8[%add3A_418, %broadcast_in_dim3A_396] : memref<4736x4xf32, #tpu.memory_space<vmem>>[vector<16xi32>, vector<16xi32>], vector<16xf32>,
        %mul3A_420 = arith.mulf %get3A_152, %gather3A_419 : vector<16xf32>
        %add3A_421 = arith.addf %add3A_414, %mul3A_420 : vector<16xf32>
        %add3A_422 = arith.constant 64 : i32
        %add3A_423 = arith.addi %mul3A_137, %add3A_422 : i32
        %add3A_424 = vector.broadcast %add3A_423 : i32 to vector<16xi32>
        %add3A_425 = arith.addi %add3A_424, %iota3A : vector<16xi32>
        %gather3A_426 = tpu.vector_load_idx %arg8[%add3A_425, %broadcast_in_dim3A_396] : memref<4736x4xf32, #tpu.memory_space<vmem>>[vector<16xi32>, vector<16xi32>], vector<16xf32>,
        %mul3A_427 = arith.mulf %get3A_156, %gather3A_426 : vector<16xf32>
        %add3A_428 = arith.addf %add3A_421, %mul3A_427 : vector<16xf32>
        %add3A_429 = arith.constant 80 : i32
        %add3A_430 = arith.addi %mul3A_137, %add3A_429 : i32
        %add3A_431 = vector.broadcast %add3A_430 : i32 to vector<16xi32>
        %add3A_432 = arith.addi %add3A_431, %iota3A : vector<16xi32>
        %gather3A_433 = tpu.vector_load_idx %arg8[%add3A_432, %broadcast_in_dim3A_396] : memref<4736x4xf32, #tpu.memory_space<vmem>>[vector<16xi32>, vector<16xi32>], vector<16xf32>,
        %mul3A_434 = arith.mulf %get3A_160, %gather3A_433 : vector<16xf32>
        %add3A_435 = arith.addf %add3A_428, %mul3A_434 : vector<16xf32>
        %add3A_436 = arith.constant 96 : i32
        %add3A_437 = arith.addi %mul3A_137, %add3A_436 : i32
        %add3A_438 = vector.broadcast %add3A_437 : i32 to vector<16xi32>
        %add3A_439 = arith.addi %add3A_438, %iota3A : vector<16xi32>
        %gather3A_440 = tpu.vector_load_idx %arg8[%add3A_439, %broadcast_in_dim3A_396] : memref<4736x4xf32, #tpu.memory_space<vmem>>[vector<16xi32>, vector<16xi32>], vector<16xf32>,
        %mul3A_441 = arith.mulf %get3A_164, %gather3A_440 : vector<16xf32>
        %add3A_442 = arith.addf %add3A_435, %mul3A_441 : vector<16xf32>
        %gather3A_443 = tpu.vector_load_idx %arg8[%select_n3A_221, %broadcast_in_dim3A_396] : memref<4736x4xf32, #tpu.memory_space<vmem>>[vector<16xi32>, vector<16xi32>], vector<16xf32>,
        %mul3A_444 = arith.mulf %get3A_168, %gather3A_443 : vector<16xf32>
        %add3A_445 = arith.addf %add3A_442, %mul3A_444 : vector<16xf32>
        %mul3A_446 = arith.constant 7 : i32
        %mul3A_447 = arith.muli %mul3A_135, %mul3A_446 : i32
        %add3A_448 = vector.broadcast %mul3A_447 : i32 to vector<16xi32>
        %add3A_449 = arith.addi %mul3A_8, %add3A_448 : vector<16xi32>
        %add3A_450 = arith.constant 6 : i32
        %add3A_451 = vector.broadcast %add3A_450 : i32 to vector<16xi32>
        %add3A_452 = arith.addi %add3A_449, %add3A_451 : vector<16xi32>
        tpu.vector_store_idx %arg9[%add3A_452], %add3A_445 : memref<3584xf32, #tpu.memory_space<vmem>>[vector<16xi32>], vector<16xf32>,
        %scan3A_453 = arith.constant 0 : i32
        scf.yield %scan3A_453 : i32
      }
      %scan3A_128 = arith.constant 32 : i32
      %mul3A_129 = arith.constant 7 : i32
      %mul3A_130 = arith.muli %add3A_27, %mul3A_129 : i32
      "tpu.region"() ({
        %run_scoped3A = tpu.sem_alloc : memref<!tpu.dma_semaphore, #tpu.memory_space<semaphore_mem>>
        %dma_start3A_132 = tpu.memref_slice %arg4[%mul3A_130] : memref<1835008xf32, #tpu.memory_space<hbm>> -> memref<3584xf32, #tpu.memory_space<hbm>>
        %dma_start3A_133 = tpu.memref_slice %arg4[%mul3A_130] : memref<1835008xf32, #tpu.memory_space<hbm>> -> memref<3584xf32, #tpu.memory_space<hbm>>
        tpu.enqueue_dma source(%arg9 : memref<3584xf32, #tpu.memory_space<vmem>>) target(%dma_start3A_133 : memref<3584xf32, #tpu.memory_space<hbm>>) target_semaphore(%run_scoped3A : memref<!tpu.dma_semaphore, #tpu.memory_space<semaphore_mem>>)
        %dma_wait3A_134 = tpu.memref_slice %arg4[%mul3A_130] : memref<1835008xf32, #tpu.memory_space<hbm>> -> memref<3584xf32, #tpu.memory_space<hbm>>
        %dma_wait3A_135 = tpu.memref_slice %arg4[%mul3A_130] : memref<1835008xf32, #tpu.memory_space<hbm>> -> memref<3584xf32, #tpu.memory_space<hbm>>
        tpu.wait_dma2 semaphore(%run_scoped3A : memref<!tpu.dma_semaphore, #tpu.memory_space<semaphore_mem>>) src(%arg9 : memref<3584xf32, #tpu.memory_space<vmem>>) dst(%dma_wait3A_135 : memref<3584xf32, #tpu.memory_space<hbm>>)
        tpu.yield
      }) : () -> ()
      %scan3A_131 = arith.constant 0 : i32
      scf.yield %scan3A_131 : i32
    }
    %scan3A_22 = arith.constant 16 : i32
    return
  }
}

module attributes {stable_mosaic.version = 14 : i64} {
  func.func @_mlp_body(%arg0: i32, %arg1: memref<4096x7xf32, #tpu.memory_space<vmem>>, %arg2: memref<7x64xf32, #tpu.memory_space<vmem>>, %arg3: memref<32x1xf32, #tpu.memory_space<vmem>>, %arg4: memref<32x3xf32, #tpu.memory_space<vmem>>, %arg5: memref<4096x3xf32, #tpu.memory_space<vmem>>, %arg6: memref<4096x1xf32, #tpu.memory_space<vmem>>) attributes {dimension_semantics = [#tpu.dimension_semantics<arbitrary>], iteration_bounds = array<i64: 64>, scalar_prefetch = 0 : i64, scratch_operands = 0 : i64, tpu.core_type = #tpu.core_type<tc>, window_params = [{transform_indices = @transform_0, window_bounds = array<i64: 4096, 7>}, {pipeline_mode = #tpu.pipeline_mode<synchronous>, transform_indices = @transform_1, window_bounds = array<i64: 7, 64>}, {pipeline_mode = #tpu.pipeline_mode<synchronous>, transform_indices = @transform_2, window_bounds = array<i64: 32, 1>}, {pipeline_mode = #tpu.pipeline_mode<synchronous>, transform_indices = @transform_3, window_bounds = array<i64: 32, 3>}, {transform_indices = @transform_4, window_bounds = array<i64: 4096, 3>}, {transform_indices = @transform_5, window_bounds = array<i64: 4096, 1>}]} {
    %get3A = arith.constant 0 : index
    %get3A_0 = arith.constant 0 : index
    %get3A_1 = vector.load %arg1[%get3A, %get3A_0] : memref<4096x7xf32, #tpu.memory_space<vmem>>, vector<4096x7xf32>
    %get3A_2 = arith.constant 0 : index
    %get3A_3 = arith.constant 0 : index
    %get3A_4 = vector.load %arg2[%get3A_2, %get3A_3] : memref<7x64xf32, #tpu.memory_space<vmem>>, vector<7x64xf32>
    %dot_general3A = arith.constant dense<0.000000e+00> : vector<4096x64xf32>
    %dot_general3A_5 = tpu.matmul %get3A_1, %get3A_4, %dot_general3A {dimension_numbers = #tpu.dot_dimension_numbers<[1], [0], [0], [1], [0, 0, 1, 1], [], []>, transpose_lhs_hint = false} : vector<4096x7xf32>, vector<7x64xf32>, vector<4096x64xf32> -> vector<4096x64xf32>
    %max3A = arith.constant 0.000000e+00 : f32
    %max3A_6 = vector.broadcast %max3A : f32 to vector<4096x64xf32>
    %max3A_7 = arith.maximumf %dot_general3A_5, %max3A_6 : vector<4096x64xf32>
    %slice3A = vector.extract_strided_slice %max3A_7 {offsets = [0, 0], sizes = [4096, 32], strides = [1, 1]} : vector<4096x64xf32> to vector<4096x32xf32>
    %get3A_8 = arith.constant 0 : index
    %get3A_9 = arith.constant 0 : index
    %get3A_10 = vector.load %arg3[%get3A_8, %get3A_9] : memref<32x1xf32, #tpu.memory_space<vmem>>, vector<32x1xf32>
    %dot_general3A_11 = arith.constant dense<0.000000e+00> : vector<4096x1xf32>
    %dot_general3A_12 = tpu.matmul %slice3A, %get3A_10, %dot_general3A_11 {dimension_numbers = #tpu.dot_dimension_numbers<[1], [0], [0], [1], [0, 0, 1, 1], [], []>, transpose_lhs_hint = false} : vector<4096x32xf32>, vector<32x1xf32>, vector<4096x1xf32> -> vector<4096x1xf32>
    %swap3A = arith.constant 0 : index
    %swap3A_13 = arith.constant 0 : index
    %swap3A_14 = vector.load %arg6[%swap3A, %swap3A_13] : memref<4096x1xf32, #tpu.memory_space<vmem>>, vector<4096x1xf32>
    tpu.vector_store %arg6[%swap3A, %swap3A_13], %dot_general3A_12 {strides = array<i32>} : memref<4096x1xf32, #tpu.memory_space<vmem>>, vector<4096x1xf32>,
    %slice3A_15 = vector.extract_strided_slice %max3A_7 {offsets = [0, 32], sizes = [4096, 32], strides = [1, 1]} : vector<4096x64xf32> to vector<4096x32xf32>
    %get3A_16 = arith.constant 0 : index
    %get3A_17 = arith.constant 0 : index
    %get3A_18 = vector.load %arg4[%get3A_16, %get3A_17] : memref<32x3xf32, #tpu.memory_space<vmem>>, vector<32x3xf32>
    %dot_general3A_19 = arith.constant dense<0.000000e+00> : vector<4096x3xf32>
    %dot_general3A_20 = tpu.matmul %slice3A_15, %get3A_18, %dot_general3A_19 {dimension_numbers = #tpu.dot_dimension_numbers<[1], [0], [0], [1], [0, 0, 1, 1], [], []>, transpose_lhs_hint = false} : vector<4096x32xf32>, vector<32x3xf32>, vector<4096x3xf32> -> vector<4096x3xf32>
    %swap3A_21 = arith.constant 0 : index
    %swap3A_22 = arith.constant 0 : index
    %swap3A_23 = vector.load %arg5[%swap3A_21, %swap3A_22] : memref<4096x3xf32, #tpu.memory_space<vmem>>, vector<4096x3xf32>
    tpu.vector_store %arg5[%swap3A_21, %swap3A_22], %dot_general3A_20 {strides = array<i32>} : memref<4096x3xf32, #tpu.memory_space<vmem>>, vector<4096x3xf32>,
    return
  }
  func.func @transform_0(%arg0: i32) -> (i32, i32) {
    %c0_i32 = arith.constant 0 : i32
    %c0_i32_0 = arith.constant 0 : i32
    return %arg0, %c0_i32 : i32, i32
  }
  func.func @transform_1(%arg0: i32) -> (i32, i32) {
    %c0_i32 = arith.constant 0 : i32
    %c0_i32_0 = arith.constant 0 : i32
    %c0_i32_1 = arith.constant 0 : i32
    return %c0_i32, %c0_i32_0 : i32, i32
  }
  func.func @transform_2(%arg0: i32) -> (i32, i32) {
    %c0_i32 = arith.constant 0 : i32
    %c0_i32_0 = arith.constant 0 : i32
    %c0_i32_1 = arith.constant 0 : i32
    return %c0_i32, %c0_i32_0 : i32, i32
  }
  func.func @transform_3(%arg0: i32) -> (i32, i32) {
    %c0_i32 = arith.constant 0 : i32
    %c0_i32_0 = arith.constant 0 : i32
    %c0_i32_1 = arith.constant 0 : i32
    return %c0_i32, %c0_i32_0 : i32, i32
  }
  func.func @transform_4(%arg0: i32) -> (i32, i32) {
    %c0_i32 = arith.constant 0 : i32
    %c0_i32_0 = arith.constant 0 : i32
    return %arg0, %c0_i32 : i32, i32
  }
  func.func @transform_5(%arg0: i32) -> (i32, i32) {
    %c0_i32 = arith.constant 0 : i32
    %c0_i32_0 = arith.constant 0 : i32
    return %arg0, %c0_i32 : i32, i32
  }
}

</mosaic_0001>

<sc_bundles>
// kernel: kernel.4.cloned.1.call-start
scs
__scs_entry_jumppad:
0x0: {  	(pc) =	sbr.rel $0x88, $3  }
0x1: {  	(tag) =	ssettag $0x0;
	lr =	simm.s32 $0x1  }
0x2: {  	[smem:$0x3F9B] =	sst lr;
	_ =	strace $0xD0000000  }
0x3: {  	_ = 	snop  }
0x4: {  	_ = 	snop  }
0x5: {  	_ = 	snop  }
0x6: {  	_ = 	snop  }
0x7: {  	_ = 	snop  }
__scs_overlays_trampoline_lowered:
0x8: {  	[smem:$0x3FAA] =	sst s0  }
0x9: {  	[smem:$0x3FAB] =	sst s1  }
0xa: {  	[smem:$0x3FAC] =	sst s2  }
0xb: {  	[smem:$0x3FAD] =	sst s3  }
0xc: {  	[smem:$0x3FAE] =	sst s4  }
0xd: {  	[smem:$0x3FAF] =	sst s5  }
0xe: {  	[smem:$0x3FB0] =	sst s6  }
0xf: {  	[smem:$0x3FB1] =	sst s7  }
0x10: {  	[smem:$0x3FB2] =	sst s8  }
0x11: {  	[smem:$0x3FB3] =	sst s9;
	s0 =	simm.s32 @!p0 $0x0  }
0x12: {  	s1 =	sld [smem:$0x3F99];
	s0 =	simm.s32 @p0 $0x1  }
0x13: {  	[smem:$0x3FB4] =	sst s0;
	s0 =	simm.s32 @!p1 $0x0  }
0x14: {  	s2 =	sld [smem:$0x3F98];
	s0 =	simm.s32 @p1 $0x1  }
0x15: {  	[smem:$0x3FB5] =	sst s0;
	s0 =	simm.s32 @!p2 $0x0  }
0x16: {  	s3 =	sld [smem:$0x3FDB];
	s0 =	simm.s32 @p2 $0x1  }
0x17: {  	s4 =	simm.s32 $0x1BF5;
	[smem:$0x3FB7] =	sst s0  }
0x18: {  	s0 =	sld [smem:$0x3F9A];
	_ =	swait.ge [sflag:s4], $0x0  }
0x19: {  	s7 =	sld [smem:$0x3F9B]  }
0x1a: {  	s8 =	sadd.s32 $0xFFFFE003, lr  }
0x1b: {  	s9 =	sadd.s32 $0xFFFFFEF7, lr;
	s5 =	simm.s32 $0xFFFFFFFF;
	p2 =	slt.u32 s8, $0xFFFFF086  }
0x1c: {  	p1 =	slt.u32 s9, $0xF7A;
	s5 =	simm.s32 @!p2 $0x0  }
0x1d: {  	s5 =	simm.s32 @p1 $0x1;
	p0 =	seq.s32 s7, s2  }
0x1e: {  	s7 =	smul.u32 @!p0 $0xF7A, s2;
	p2 =	seq.s32 @!p0 s5, $0x0  }
0x1f: {  	s9 =	smul.u32 $0xF7A, s1;
	s8 =	simm.s32 @!p0 $0x1BF5;
	p2 =	por !p2, p0  }
0x20: {  	[sflag:s8] =	ssyncset.s32 @!p0 $0xFFFFF086;
	s6 =	sadd.s32 @!p0 s3, s7;
	s7 =	simm.s32 @!p0 $0x108  }
0x21: {  	s3 =	sadd.s32 s3, s9;
	s6 =	sadd.s32 @!p0 $0x88, s6;
	s7 =	simm.s32 @p2 $0x1082  }
0x22: {  	[simem:s7], [sflag:s8] =	dma.local @!p0 [hbm:s6], $0xF7A  }
0x23: {  	s9 =	sor.u32 $0xD0000000, s2;
	s6 =	simm.s32 $0x108;
	_ =	swait.ge @!p0 [sflag:s8], $0x0  }
0x24: {  	s3 =	sadd.s32 $0x88, s3;
	s6 =	simm.s32 @!p1 $0x1082;
	[sflag:s4] =	ssyncset.s32 $0xFFFFF086  }
0x25: {  	[simem:s6], [sflag:s4] =	dma.local [hbm:s3], $0xF7A  }
0x26: {  	[smem:$0x3F9B] =	sst s1;
	(tag) =	ssettag s2;
	_ =	strace s9  }
0x27: {  	s1 =	sld [smem:$0x3FAB]  }
0x28: {  	s2 =	sld [smem:$0x3FAC]  }
0x29: {  	s4 =	sld [smem:$0x3FAE]  }
0x2a: {  	p0 =	seq.s32 s5, $0x0;
	s5 =	sld [smem:$0x3FAF]  }
0x2b: {  	s6 =	sld [smem:$0x3FB0]  }
0x2c: {  	s7 =	sld [smem:$0x3FB1]  }
0x2d: {  	s3 =	simm.s32 $0x108;
	s8 =	sld [smem:$0x3FB2]  }
0x2e: {  	s3 =	simm.s32 @!p0 $0x1082;
	s9 =	sld [smem:$0x3FB3]  }
0x2f: {  	lr =	sadd.s32 s0, s3;
	s0 =	sld [smem:$0x3FAA]  }
0x30: {  	s3 =	sld [smem:$0x3FAD]  }
0x31: {  	[smem:$0x3FB6] =	sst s10  }
0x32: {  	s10 =	sld [smem:$0x3FB4];
	_ =	sdelay $0x3  }
0x33: {  	p0 =	seq.s32 s10, $0x1;
	s10 =	sld [smem:$0x3FB6];
	_ =	sdelay $0x3  }
0x34: {  	[smem:$0x3FB6] =	sst s10  }
0x35: {  	s10 =	sld [smem:$0x3FB5];
	_ =	sdelay $0x3  }
0x36: {  	p1 =	seq.s32 s10, $0x1;
	s10 =	sld [smem:$0x3FB6];
	_ =	sdelay $0x3  }
0x37: {  	[smem:$0x3FB6] =	sst s10  }
0x38: {  	s10 =	sld [smem:$0x3FB7]  }
0x39: {  	_ = 	snop;
	(pc) =	sbr.ind lr, $3  }
0x3a: {  	_ = 	snop  }
0x3b: {  	_ = 	snop  }
0x3c: {  	p2 =	seq.s32 s10, $0x1;
	s10 =	sld [smem:$0x3FB6]  }
0x3d: {  	_ =	shalt  }
0x3e: {  	_ =	shalt  }
0x3f: {  	_ =	shalt  }
0x40: {  	_ =	shalt  }
0x41: {  	_ =	shalt  }
0x42: {  	_ =	shalt  }
0x43: {  	_ =	shalt  }
0x44: {  	_ =	shalt  }
0x45: {  	_ =	shalt  }
0x46: {  	_ =	shalt  }
0x47: {  	_ =	shalt  }
0x48: {  	_ =	shalt  }
0x49: {  	_ =	shalt  }
0x4a: {  	_ =	shalt  }
0x4b: {  	_ =	shalt  }
0x4c: {  	_ =	shalt  }
0x4d: {  	_ =	shalt  }
0x4e: {  	_ =	shalt  }
0x4f: {  	_ =	shalt  }
0x50: {  	_ =	shalt  }
0x51: {  	_ =	shalt  }
0x52: {  	_ =	shalt  }
0x53: {  	_ =	shalt  }
0x54: {  	_ =	shalt  }
0x55: {  	_ =	shalt  }
0x56: {  	_ =	shalt  }
0x57: {  	_ =	shalt  }
0x58: {  	_ =	shalt  }
0x59: {  	_ =	shalt  }
0x5a: {  	_ =	shalt  }
0x5b: {  	_ =	shalt  }
0x5c: {  	_ =	shalt  }
0x5d: {  	_ =	shalt  }
0x5e: {  	_ =	shalt  }
0x5f: {  	_ =	shalt  }
0x60: {  	_ =	shalt  }
0x61: {  	_ =	shalt  }
0x62: {  	_ =	shalt  }
0x63: {  	_ =	shalt  }
0x64: {  	_ =	shalt  }
0x65: {  	_ =	shalt  }
0x66: {  	_ =	shalt  }
0x67: {  	_ =	shalt  }
0x68: {  	_ =	shalt  }
0x69: {  	_ =	shalt  }
0x6a: {  	_ =	shalt  }
0x6b: {  	_ =	shalt  }
0x6c: {  	_ =	shalt  }
0x6d: {  	_ =	shalt  }
0x6e: {  	_ =	shalt  }
0x6f: {  	_ =	shalt  }
0x70: {  	_ =	shalt  }
0x71: {  	_ =	shalt  }
0x72: {  	_ =	shalt  }
0x73: {  	_ =	shalt  }
0x74: {  	_ =	shalt  }
0x75: {  	_ =	shalt  }
0x76: {  	_ =	shalt  }
0x77: {  	_ =	shalt  }
0x78: {  	_ =	shalt  }
0x79: {  	_ =	shalt  }
0x7a: {  	_ =	shalt  }
0x7b: {  	_ =	shalt  }
0x7c: {  	_ =	shalt  }
0x7d: {  	_ =	shalt  }
0x7e: {  	_ =	shalt  }
0x7f: {  	_ =	shalt  }
0x80: {  	_ =	shalt  }
0x81: {  	_ =	shalt  }
0x82: {  	_ =	shalt  }
0x83: {  	_ =	shalt  }
0x84: {  	_ =	shalt  }
0x85: {  	_ =	shalt  }
0x86: {  	_ =	shalt  }
0x87: {  	_ =	shalt  }
.Lfunc_end0:
.L_simem_size_0:
called_computation_lowered:
.L_overlay_start_0:
0x88: {  	s2 =	sld [smem:$0x3FD9]  }
0x89: {  	s3 =	sld [smem:$0x3FFE];
	_ =	sdelay $0x1  }
0x8a: {  	s1 =	srdreg.scid  }
0x8b: {  	s0 =	sand.u32 $0x1, s1  }
0x8c: {  	s14 =	sshll.u32 s0, $0xA;
	s2 =	sadd.s32 s3, s2  }
0x8d: {  	s2 =	sadd.s32 s2, s14  }
0x8e: {  	[smem:$0x3FC2] =	sst s2  }
0x8f: {  	_ = 	snop  }
0x90: {  	s2 =	sld [smem:$0x3FD0];
	_ =	sdelay $0x2  }
0x91: {  	s15 =	simm.s32 $0xA;
	s4 =	simm.s32 $0x10  }
0x92: {  	[smem:s4], [sflag:s15] =	dma.local [hbm:s2], $0x1  }
0x93: {  	_ =	swait.eq [sflag:s15], $0x1  }
0x94: {  	[sflag:s15] =	ssyncset.done $0x0  }
0x95: {  	[sflag:s15] =	ssyncadd.s32 $0xFFFFFFFF  }
0x96: {  	s16 =	sld [smem:$0x10];
	(tm) =	ssettm $0x1  }
0x97: {  	s17 =	sld [smem:$0x3FFB];
	_ =	sdelay $0x3  }
0x98: {  	_ =	strace s17  }
0x99: {  	s3 =	sld [smem:$0x3FFC];
	_ =	sdelay $0x3  }
0x9a: {  	_ =	strace s3  }
0x9b: {  	s3 =	sld [smem:$0x3FFD];
	_ =	sdelay $0x3  }
0x9c: {  	_ =	strace s3  }
0x9d: {  	_ =	strace $0x8FFFFFFF  }
0x9e: {  	s18 =	sld [smem:$0x3FDB];
	_ =	sdelay $0x1  }
0x9f: {  	s19 =	simm.s32 $_scs_section_size  }
0xa0: {  	s5 =	simm.s32 $_size__tile_overlayer_lowered;
	s6 =	simm.s32 $_tile_overlayer_lowered  }
0xa1: {  	s22 =	simm.s32 $0x1BFF;
	s21 =	sshll.u32 s6, $0x1;
	s3 =	sadd.s32 s19, s18  }
0xa2: {  	s7 =	simm.s32 $0x0;
	s20 =	sshll.u32 s5, $0x1;
	s5 =	sadd.s32 s21, s3  }
0xa3: {  	[timem:s7], [sflag:s22] =	dma.local [hbm:s5], s20  }
0xa4: {  	_ =	swait.ge [sflag:s22], s20  }
0xa5: {  	s4 =	ssub.s32 $0x0, s20;
	[sflag:s22] =	ssyncset.done $0x0  }
0xa6: {  	[sflag:s22] =	ssyncadd.s32 s4;
	_ =	sdelay $0x1  }
0xa7: {  	s23 =	simm.s32 $0x1B8B  }
0xa8: {  	_ =	swait.ge [sflag:s23], $0x1  }
0xa9: {  	[sflag:s23] =	ssyncset.done $0x0  }
0xaa: {  	s25 =	simm.s32 $0x1B8E;
	s24 =	sld [smem:$0x3FFE];
	[sflag:s23] =	ssyncadd.s32 $0xFFFFFFFF  }
0xab: {  	s26 =	simm.s32 $execute0_lowered;
	[smem:$0x3FD2] =	sst s25  }
0xac: {  	s5 =	sshll.u32 s26, $0x1;
	_ =	strace $0x80000046;
	[dreg:$0x1] =	wrdreg $0xFFFFFFFF  }
0xad: {  	s28 =	simm.s32 $_size_execute0_lowered;
	s3 =	sadd.s32 s3, s5;
	[dreg:$0x0] =	wrdreg $0x0  }
0xae: {  	s5 =	sshll.u32 s28, $0x1;
	[dreg:$0x2] =	wrdreg s3  }
0xaf: {  	[dreg:$0x3] =	wrdreg s5  }
0xb0: {  	[dreg:$0x4] =	wrdreg $0xC0  }
0xb1: {  	_ =	task [dreg:s7], $0x5FFFF  }
0xb2: {  	[dreg:$0x1] =	wrdreg $0xFFFFFFFF  }
0xb3: {  	[dreg:$0x0] =	wrdreg $0x60  }
0xb4: {  	[dreg:$0x2] =	wrdreg s16  }
0xb5: {  	[dreg:$0x3] =	wrdreg s24  }
0xb6: {  	[dreg:$0x4] =	wrdreg $0x9  }
0xb7: {  	_ =	task.clear_ibuf [dreg:s7], $0x5FFFF;
	_ =	strace $0x90000046  }
0xb8: {  	s29 =	simm.s32 $0x9;
	_ =	strace $0x80000048  }
0xb9: {  	_ =	swait.ge [sflag:s29], $0x1  }
0xba: {  	[sflag:s29] =	ssyncadd.s32 $0xFFFFFFFF  }
0xbb: {  	_ =	strace $0x90000048  }
0xbc: {  	_ =	sfence  }
0xbd: {  	s30 =	sld [smem:$0x0];
	_ =	sdelay $0x2  }
0xbe: {  	s31 =	sshll.u32 s1, $0xD;
	s1 =	sshrl.u32 s1, $0x2  }
0xbf: {  	s3 =	sand.u32 $0x4000, s31;
	s1 =	sadd.s32 s1, s30  }
0xc0: {  	s0 =	sor.u32 s3, s0;
	s1 =	sshll.u32 s1, $0x11  }
0xc1: {  	s0 =	sor.u32 s1, s0  }
0xc2: {  	s0 =	sadd.s32 $0x8F2B, s0  }
0xc3: {  	[sflag:s0] =	ssyncadd.remote.s32 $0x1  }
0xc4: {  	_ =	sfence.sel $0xFFFF  }
0xc5: {  	[dreg:$0x0] =	wrdreg $0xFFFFFFFF;
	(pc) =	sbr.abs _section_cstart, $3  }
0xc6: {  	[dreg:$0x1] =	wrdreg $0xFFFFFFFF  }
0xc7: {  	_ =	task.clear_ibuf [dreg:s7], $0x2FFFF;
	_ =	strace $0x9FFFFFFF  }
0xc8: {  	(tm) =	ssettm $0x7FFFFFFF  }
0xc9: {  	_ =	shalt  }
tec
execute0_lowered:
.L_overlay_start_1:
0x0: {  	(tag) =	ssettag $0x1  }
0x1: {  	v0 =	vimm.s32 $0x52741630;
	v13 =	vlaneseq.u32  }
0x2: {  	v1 =	vimm.s32 $0x63052741;
	v6 =	vimm.s32 $0x74163052;
	v8 =	vimm.s32 $0x12345670  }
0x3: {  	v9 =	vimm.s32 $0x23456701;
	v11 =	vimm.s32 $0x34567012;
	v14 =	vimm.s32 $0x45670123  }
0x4: {  	vm0 =	vmmov $0x3fff;
	v15 =	vimm.s32 $0x56701234;
	v17 =	vimm.s32 $0x67012345  }
0x5: {  	s0 =	rddreg [dreg:$0x1];
	s2 =	simm.s32 $0x0;
	v19 =	vimm.s32 $0x70123456;
	v2 =	vunpack.c.l.s4.s8 v0;
	v0 =	vmul.u32 $0x3, v13  }
0x6: {  	s1 =	srdreg.scid;
	s6 =	stileid.u32;
	s8 =	simm.s32 $0x2;
	v4 =	vunpack.c.l.s4.s8 v1;
	v1 =	vimm.s32 $0x0;
	v7 =	vunpack.c.l.s4.s8 v6  }
0x7: {  	s9 =	simm.s32 $0xCE80;
	s10 =	simm.s32 $0x80;
	s12 =	simm.s32 $0x3A80;
	v6 =	vmul.u32 $0x7, v13;
	v8 =	vunpack.c.l.s4.s8 v8;
	v10 =	vunpack.c.l.s4.s8 v9  }
0x8: {  	s28 =	simm.s32 $0x1;
	s7 =	simm.s32 $0x2700;
	s11 =	simm.s32 $0x2800;
	v12 =	vunpack.c.l.s4.s8 v11;
	v13 =	vmul.u32 $0x8, v13;
	v16 =	vunpack.c.l.s4.s8 v14  }
0x9: {  	s13 =	simm.s32 $0xC280;
	s14 =	simm.s32 $0x2900;
	s15 =	simm.s32 $0xC680;
	v18 =	vunpack.c.l.s4.s8 v15;
	v20 =	vunpack.c.l.s4.s8 v17;
	v21 =	vunpack.c.l.s4.s8 v19  }
0xa: {  	s16 =	simm.s32 $0x2A00;
	s17 =	simm.s32 $0xCA80;
	s1 =	sand.u32 $0x1, s1;
	v2 =	vunpack.c.0.s8.s32 v2;
	v3 =	vadd.s32 $0x1, v0;
	v4 =	vunpack.c.0.s8.s32 v4  }
0xb: {  	s18 =	simm.s32 $0x0;
	[smem:$0x7FF] =	sst s2;
	s3 =	ssub.s32 $0x2, s1;
	v5 =	vadd.s32 $0x2, v0;
	v7 =	vunpack.c.0.s8.s32 v7;
	v8 =	vunpack.c.0.s8.s32 v8  }
0xc: {  	s4 =	sadd.s32 $0x1000, s0;
	s6 =	sshll.u32 s6, $0xE;
	s5 =	sshrl.u32 s3, $0x1;
	v9 =	vadd.s32 $0x1, v6;
	v10 =	vunpack.c.0.s8.s32 v10;
	v11 =	vadd.s32 $0x2, v6  }
0xd: {  	_ =	strace $0x80000047;
	s1 =	sshll.u32 s1, $0xD;
	v12 =	vunpack.c.0.s8.s32 v12;
	v14 =	vadd.s32 $0x3, v6;
	v15 =	vunpack.c.0.s8.s32 v16;
	s3 =	ssub.s32 s3, s5  }
0xe: {  	s6 =	sor.u32 s1, s6;
	s1 =	simm.s32 $0xBE80;
	v16 =	vadd.s32 $0x4, v6;
	v17 =	vunpack.c.0.s8.s32 v18;
	v18 =	vadd.s32 $0x5, v6;
	s31 =	smax.u32 s3, $0x1  }
0xf: {  	v19 =	vunpack.c.0.s8.s32 v20;
	v20 =	vadd.s32 $0x6, v6;
	v21 =	vunpack.c.0.s8.s32 v21;
	s5 =	sadd.s32 $0x7A2200, s0;
	s3 =	simm.s32 $0xBA80;
	[dreg:$0x3] =	wrdreg s31  }
.LBB2_1:
0x10: {  	[tilespmem:$0x1840] =	vst v1  }
0x11: {  	[tilespmem:$0x1850] =	vst v1  }
0x12: {  	[tilespmem:$0x1860] =	vst v1  }
0x13: {  	[dreg:$0x4] =	wrdreg s18;
	[tilespmem:$0x1870] =	vst v1;
	s18 =	simm.s32 $0x0  }
.LBB2_2:
0x14: {  	s19 =	sshll.u32 s18, $0x9  }
0x15: {  	s19 =	sadd.s32 s6, s19  }
0x16: {  	s20 =	simm.s32 $0x0;
	s21 =	smul.u32 $0x3, s19  }
0x17: {  	v22 =	vadd.s32 s20, v0  }
0x18: {  	s0 =	rddreg [dreg:$0x0];
	v23 =	vadd.s32 s20, v3;
	v22 =	vand.u32 $0xFF8, v22;
	s21 =	sshrl.u32 s21, $0x3  }
0x19: {  	v23 =	vand.u32 $0xFF8, v23;
	v22 =	vor.u32 v2, v22;
	s21 =	sadd.s32 s0, s21  }
0x1a: {  	v24 =	vadd.s32 s20, v5;
	v23 =	vor.u32 v4, v23;
	[tilespmem:s20], [sflag:$0x2] =	stream.linear.gather [hbm4b:s21+s20], $0x600, $0x38;
	[tilespmem:$0xDC80] =	vst v63  }
0x1b: {  	v24 =	vand.u32 $0xFF8, v24;
	_ =	swait.ge [sflag:s8], $0x600  }
0x1c: {  	v24 =	vor.u32 v7, v24;
	[sflag:s8] =	ssyncset.done $0x0  }
0x1d: {  	[sflag:s8] =	ssyncadd.s32 $0xFFFFFA00  }
0x1e: {  	v22 =	vld.idx.msk [tilespmem:v22+s2+$0x0], $0xffff  }
0x1f: {  	v23 =	vld.idx.msk [tilespmem:v23+s2+$0x0], $0xffff;
	_ =	sdelay $0x1  }
0x20: {  	v24 =	vld.idx.msk [tilespmem:v24+s2+$0x0], $0xffff;
	_ =	sdelay $0x1  }
0x21: {  	v22 =	vadd.f32 $2.000000000e+00, v22  }
0x22: {  	v23 =	vadd.f32 $2.000000000e+00, v23  }
0x23: {  	v29 =	vmul.f32 $2.500000000e-01, v22  }
0x24: {  	v22 =	vadd.f32 $2.000000000e+00, v24;
	v23 =	vmul.f32 $2.500000000e-01, v23  }
0x25: {  	v24 =	vmul.f32 $1.990000000e+02, v29  }
0x26: {  	v22 =	vmul.f32 $2.500000000e-01, v22;
	v25 =	vmul.f32 $1.990000000e+02, v23  }
0x27: {  	v26 =	vmax.f32 v24, $0.0e+00  }
0x28: {  	v27 =	vmul.f32 $1.990000000e+02, v22;
	v28 =	vmax.f32 v25, $0.0e+00;
	v26 =	vmin.f32 v26, $1.980000000e+02  }
0x29: {  	v28 =	vmin.f32 v28, $1.980000000e+02;
	v26 =	vtrunc.f32 v26  }
0x2a: {  	v30 =	vmax.f32 v27, $0.0e+00;
	v28 =	vtrunc.f32 v28;
	v26 =	vcvt.f32.s32 v26  }
0x2b: {  	v30 =	vmin.f32 v30, $1.980000000e+02;
	v28 =	vcvt.f32.s32 v28  }
0x2c: {  	v30 =	vtrunc.f32 v30;
	v31 =	vcvt.s32.f32 v26  }
0x2d: {  	v30 =	vcvt.f32.s32 v30;
	v32 =	vcvt.s32.f32 v28  }
0x2e: {  	v24 =	vsub.f32 v24, v31  }
0x2f: {  	v25 =	vsub.f32 v25, v32;
	v31 =	vcvt.s32.f32 v30  }
0x30: {  	v26 =	vmul.u32 $0xC8, v26;
	v59 =	vsub.f32 $1.000000000e+00, v24  }
0x31: {  	v27 =	vsub.f32 v27, v31;
	v31 =	vsub.f32 $1.000000000e+00, v25  }
0x32: {  	v26 =	vadd.s32 v28, v26  }
0x33: {  	v26 =	vmul.u32 $0xC8, v26;
	v28 =	vsub.f32 $1.000000000e+00, v27;
	v33 =	vmul.f32 v31, v59;
	_ =	sdelay $0x1  }
0x34: {  	s31 =	simm.s32 $0x640;
	v26 =	vadd.s32 v30, v26;
	v30 =	vmul.f32 v28, v33  }
0x35: {  	s22 =	simm.s32 $0x2AC0;
	[tilespmem:s31+$0xFFFFFFC0] =	vst v26  }
0x36: {  	v32 =	vmul.f32 v25, v59;
	v34 =	vadd.s32 $0x1, v26;
	v33 =	vmul.f32 v33, v27;
	[tilespmem:s22+$0xFFFFFFC0] =	vst v30  }
0x37: {  	[tilespmem:s31+$0xFFFFFFD0] =	vst v34  }
0x38: {  	v60 =	vadd.s32 $0xC8, v26;
	v30 =	vmul.f32 v28, v32;
	[tilespmem:s22+$0xFFFFFFD0] =	vst v33  }
0x39: {  	[tilespmem:s31+$0xFFFFFFE0] =	vst v60  }
0x3a: {  	v31 =	vmul.f32 v31, v24;
	v61 =	vadd.s32 $0xC9, v26;
	v32 =	vmul.f32 v27, v32;
	[tilespmem:s22+$0xFFFFFFE0] =	vst v30  }
0x3b: {  	[tilespmem:s31+$0xFFFFFFF0] =	vst v61  }
0x3c: {  	v62 =	vadd.s32 $0x9C40, v26;
	v30 =	vmul.f32 v28, v31;
	[tilespmem:s22+$0xFFFFFFF0] =	vst v32  }
0x3d: {  	v24 =	vmul.f32 v25, v24;
	[tilespmem:s31+$0x0] =	vst v62  }
0x3e: {  	v25 =	vmul.f32 v31, v27;
	v31 =	vadd.s32 $0x9C41, v26;
	[tilespmem:s22+$0x0] =	vst v30  }
0x3f: {  	v28 =	vmul.f32 v28, v24;
	[tilespmem:s31+$0x10] =	vst v31  }
0x40: {  	v30 =	vadd.s32 $0x9D08, v26;
	v31 =	vadd.s32 s20, v6;
	[tilespmem:s22+$0x10] =	vst v25;
	v25 =	vmul.f32 v27, v24  }
0x41: {  	v24 =	vand.u32 $0x1FF8, v31;
	v27 =	vadd.s32 s20, v9;
	[tilespmem:s31+$0x20] =	vst v30;
	v30 =	vadd.s32 $0x9D09, v26  }
0x42: {  	s25 =	simm.s32 $0x30;
	v31 =	vor.u32 v8, v24;
	v26 =	vadd.s32 s20, v11;
	v24 =	vand.u32 $0x1FF8, v27;
	[tilespmem:s22+$0x20] =	vst v28  }
0x43: {  	v27 =	vadd.s32 s25, v0;
	v24 =	vor.u32 v10, v24;
	v26 =	vand.u32 $0x1FF8, v26;
	[tilespmem:s31+$0x30] =	vst v30  }
0x44: {  	s23 =	sand.u32 $0xC0, s20;
	s21 =	simm.s32 $0x1600;
	v27 =	vand.u32 $0xFF8, v27;
	v28 =	vadd.s32 s25, v3;
	[tilespmem:s22+$0x30] =	vst v25;
	v25 =	vor.u32 v12, v26  }
0x45: {  	v63 =	vadd.s32 s25, v5;
	s23 =	sshrl.u32 s23, $0x2;
	v26 =	vor.u32 v2, v27;
	v27 =	vand.u32 $0xFF8, v28;
	[tilespmem:s21+$0x0] =	vst v30  }
0x46: {  	v28 =	vand.u32 $0xFF8, v63;
	v27 =	vor.u32 v4, v27;
	[tilespmem:s23+$0x1800] =	vst v30  }
0x47: {  	s26 =	simm.s32 $0x10;
	s24 =	simm.s32 $0x6C0;
	v28 =	vor.u32 v7, v28;
	s23 =	simm.s32 $0x8;
	[tilespmem:v31+s9+$0x0] =	vst.idx.msk $0xffff, v29  }
.LBB2_3:
0x48: {  	[tilespmem:v24+s9+$0x0] =	vst.idx.msk $0xffff, v23;
	s20 =	sadd.s32 $0x70, s20;
	s21 =	sadd.s32 $0x10, s21;
	s22 =	sadd.s32 $0x80, s22  }
0x49: {  	p0 =	sne.s32 s26, $0xF8;
	s29 =	smov.u32 s26;
	s26 =	sadd.s32 $0x8, s26;
	[tilespmem:v25+s9+$0x0] =	vst.idx.msk $0xffff, v22  }
0x4a: {  	v22 =	vld.idx.msk [tilespmem:v26+s2+$0x0], $0xffff  }
0x4b: {  	v23 =	vld.idx.msk [tilespmem:v27+s2+$0x0], $0xffff  }
0x4c: {  	v24 =	vld.idx.msk [tilespmem:v28+s2+$0x0], $0xffff;
	_ =	sdelay $0x3  }
0x4d: {  	v22 =	vadd.f32 $2.000000000e+00, v22  }
0x4e: {  	v23 =	vadd.f32 $2.000000000e+00, v23  }
0x4f: {  	v29 =	vmul.f32 $2.500000000e-01, v22;
	v22 =	vadd.f32 $2.000000000e+00, v24  }
0x50: {  	v23 =	vmul.f32 $2.500000000e-01, v23  }
0x51: {  	v24 =	vmul.f32 $1.990000000e+02, v29  }
0x52: {  	v22 =	vmul.f32 $2.500000000e-01, v22;
	v25 =	vmul.f32 $1.990000000e+02, v23  }
0x53: {  	v26 =	vmax.f32 v24, $0.0e+00  }
0x54: {  	v27 =	vmul.f32 $1.990000000e+02, v22;
	v26 =	vmin.f32 v26, $1.980000000e+02;
	v28 =	vmax.f32 v25, $0.0e+00  }
0x55: {  	v28 =	vmin.f32 v28, $1.980000000e+02;
	v26 =	vtrunc.f32 v26  }
0x56: {  	v30 =	vmax.f32 v27, $0.0e+00;
	v26 =	vcvt.f32.s32 v26;
	v28 =	vtrunc.f32 v28  }
0x57: {  	v30 =	vmin.f32 v30, $1.980000000e+02;
	v28 =	vcvt.f32.s32 v28  }
0x58: {  	v30 =	vtrunc.f32 v30;
	v31 =	vcvt.s32.f32 v26;
	v26 =	vmul.u32 $0xC8, v26  }
0x59: {  	v30 =	vcvt.f32.s32 v30;
	v32 =	vcvt.s32.f32 v28  }
0x5a: {  	v24 =	vsub.f32 v24, v31;
	v26 =	vadd.s32 v28, v26  }
0x5b: {  	v28 =	vcvt.s32.f32 v30;
	v25 =	vsub.f32 v25, v32;
	v26 =	vmul.u32 $0xC8, v26  }
0x5c: {  	v31 =	vsub.f32 $1.000000000e+00, v24  }
0x5d: {  	v27 =	vsub.f32 v27, v28;
	v26 =	vadd.s32 v30, v26;
	v28 =	vsub.f32 $1.000000000e+00, v25  }
0x5e: {  	v30 =	vmul.f32 v25, v31;
	v25 =	vmul.f32 v25, v24  }
0x5f: {  	v32 =	vsub.f32 $1.000000000e+00, v27;
	v31 =	vmul.f32 v28, v31;
	v24 =	vmul.f32 v28, v24  }
0x60: {  	v28 =	vmul.f32 v27, v30;
	v33 =	vmul.f32 v27, v25  }
0x61: {  	v34 =	vmul.f32 v32, v31;
	v31 =	vmul.f32 v31, v27;
	[tilespmem:s24+$0xFFFFFFC0] =	vst v26  }
0x62: {  	v35 =	vmul.f32 v32, v24;
	v24 =	vmul.f32 v24, v27;
	v27 =	vadd.s32 $0x1, v26  }
0x63: {  	[tilespmem:s22+$0xFFFFFFC0] =	vst v34  }
0x64: {  	v30 =	vmul.f32 v32, v30;
	[tilespmem:s24+$0xFFFFFFD0] =	vst v27;
	v27 =	vadd.s32 $0xC8, v26  }
0x65: {  	[tilespmem:s22+$0xFFFFFFD0] =	vst v31  }
0x66: {  	[tilespmem:s24+$0xFFFFFFE0] =	vst v27;
	v27 =	vadd.s32 $0xC9, v26  }
0x67: {  	[tilespmem:s22+$0xFFFFFFE0] =	vst v30  }
0x68: {  	[tilespmem:s24+$0xFFFFFFF0] =	vst v27;
	v27 =	vadd.s32 $0x9C40, v26  }
0x69: {  	[tilespmem:s22+$0xFFFFFFF0] =	vst v28  }
0x6a: {  	[tilespmem:s24+$0x0] =	vst v27;
	v27 =	vadd.s32 $0x9C41, v26  }
0x6b: {  	[tilespmem:s22+$0x0] =	vst v35  }
0x6c: {  	v25 =	vmul.f32 v32, v25;
	v28 =	vadd.s32 s20, v6;
	[tilespmem:s24+$0x10] =	vst v27;
	v27 =	vadd.s32 $0x9D08, v26  }
0x6d: {  	v30 =	vadd.s32 s20, v11;
	[tilespmem:s22+$0x10] =	vst v24;
	v24 =	vand.u32 $0x1FF8, v28;
	v28 =	vadd.s32 s20, v9  }
0x6e: {  	s25 =	sadd.s32 $0x30, s25;
	v31 =	vadd.s32 $0x9D09, v26;
	[tilespmem:s24+$0x20] =	vst v27;
	v32 =	vor.u32 v8, v24;
	v24 =	vand.u32 $0x1FF8, v28  }
0x6f: {  	v26 =	vadd.s32 s25, v0;
	[tilespmem:s22+$0x20] =	vst v25;
	v24 =	vor.u32 v10, v24;
	v25 =	vand.u32 $0x1FF8, v30  }
.Ltmp0:
0x70: {  	s30 =	sand.u32 $0xC0, s23;
	s23 =	smov.u32 s29;
	v26 =	vand.u32 $0xFF8, v26;
	v27 =	vadd.s32 s25, v3;
	[tilespmem:s24+$0x30] =	vst v31;
	v25 =	vor.u32 v12, v25;
	(pc) =	sbr.rel @p0 .LBB2_3-.Ltmp0, $4  }
0x71: {  	s29 =	sshrl.u32 s30, $0x2;
	v26 =	vor.u32 v2, v26;
	v27 =	vand.u32 $0xFF8, v27;
	[tilespmem:s22+$0x30] =	vst v33  }
0x72: {  	v28 =	vadd.s32 s25, v5;
	v27 =	vor.u32 v4, v27;
	[tilespmem:s21+$0x0] =	vst v31  }
0x73: {  	v28 =	vand.u32 $0xFF8, v28;
	[tilespmem:s29+$0x1800] =	vst v31  }
0x74: {  	v28 =	vor.u32 v7, v28;
	s24 =	sadd.s32 $0x80, s24;
	[tilespmem:v32+s9+$0x0] =	vst.idx.msk $0xffff, v29  }
0x75: {  	_ =	sdelay $0x3  }
0x76: {  	[tilespmem:v24+s9+$0x0] =	vst.idx.msk $0xffff, v23  }
0x77: {  	[tilespmem:v25+s9+$0x0] =	vst.idx.msk $0xffff, v22  }
0x78: {  	v22 =	vld.idx.msk [tilespmem:v26+s2+$0x0], $0xffff  }
0x79: {  	v23 =	vld.idx.msk [tilespmem:v27+s2+$0x0], $0xffff  }
0x7a: {  	v24 =	vld.idx.msk [tilespmem:v28+s2+$0x0], $0xffff;
	_ =	sdelay $0x3  }
0x7b: {  	v22 =	vadd.f32 $2.000000000e+00, v22  }
0x7c: {  	v23 =	vadd.f32 $2.000000000e+00, v23;
	v24 =	vadd.f32 $2.000000000e+00, v24  }
0x7d: {  	v22 =	vmul.f32 $2.500000000e-01, v22  }
0x7e: {  	v23 =	vmul.f32 $2.500000000e-01, v23;
	v24 =	vmul.f32 $2.500000000e-01, v24  }
0x7f: {  	v25 =	vmul.f32 $1.990000000e+02, v22  }
0x80: {  	v26 =	vmul.f32 $1.990000000e+02, v23;
	v28 =	vmul.f32 $1.990000000e+02, v24  }
0x81: {  	v27 =	vmax.f32 v25, $0.0e+00  }
0x82: {  	v29 =	vmax.f32 v26, $0.0e+00;
	v30 =	vmax.f32 v28, $0.0e+00;
	v27 =	vmin.f32 v27, $1.980000000e+02  }
0x83: {  	v29 =	vmin.f32 v29, $1.980000000e+02;
	v30 =	vmin.f32 v30, $1.980000000e+02;
	v27 =	vtrunc.f32 v27  }
0x84: {  	v29 =	vtrunc.f32 v29;
	v30 =	vtrunc.f32 v30  }
0x85: {  	v27 =	vcvt.f32.s32 v27;
	v29 =	vcvt.f32.s32 v29  }
0x86: {  	v30 =	vcvt.f32.s32 v30  }
0x87: {  	v31 =	vcvt.s32.f32 v27;
	v32 =	vcvt.s32.f32 v29  }
0x88: {  	v38 =	vcvt.s32.f32 v30  }
0x89: {  	v25 =	vsub.f32 v25, v31;
	v26 =	vsub.f32 v26, v32  }
0x8a: {  	v27 =	vmul.u32 $0xC8, v27;
	v28 =	vsub.f32 v28, v38  }
0x8b: {  	v39 =	vsub.f32 $1.000000000e+00, v25;
	v40 =	vsub.f32 $1.000000000e+00, v26  }
0x8c: {  	v27 =	vadd.s32 v29, v27  }
0x8d: {  	v27 =	vmul.u32 $0xC8, v27;
	v29 =	vsub.f32 $1.000000000e+00, v28;
	v33 =	vmul.f32 v40, v39;
	_ =	sdelay $0x1  }
0x8e: {  	v27 =	vadd.s32 v30, v27;
	v41 =	vmul.f32 v29, v33  }
0x8f: {  	s22 =	sadd.s32 $0x80, s22;
	[tilespmem:s24+$0xFFFFFFC0] =	vst v27  }
0x90: {  	v32 =	vmul.f32 v26, v39;
	v34 =	vadd.s32 $0x1, v27;
	v33 =	vmul.f32 v33, v28;
	[tilespmem:s22+$0xFFFFFFC0] =	vst v41  }
0x91: {  	[tilespmem:s24+$0xFFFFFFD0] =	vst v34  }
0x92: {  	v43 =	vadd.s32 $0xC8, v27;
	v42 =	vmul.f32 v29, v32;
	[tilespmem:s22+$0xFFFFFFD0] =	vst v33  }
0x93: {  	[tilespmem:s24+$0xFFFFFFE0] =	vst v43  }
0x94: {  	v31 =	vmul.f32 v40, v25;
	v44 =	vadd.s32 $0xC9, v27;
	v32 =	vmul.f32 v28, v32;
	[tilespmem:s22+$0xFFFFFFE0] =	vst v42  }
0x95: {  	[tilespmem:s24+$0xFFFFFFF0] =	vst v44  }
0x96: {  	v46 =	vadd.s32 $0x9C40, v27;
	v45 =	vmul.f32 v29, v31;
	[tilespmem:s22+$0xFFFFFFF0] =	vst v32  }
0x97: {  	[tilespmem:s24+$0x0] =	vst v46  }
0x98: {  	s20 =	sadd.s32 $0x70, s20;
	v25 =	vmul.f32 v26, v25;
	v47 =	vadd.s32 $0x9C41, v27;
	v26 =	vmul.f32 v31, v28;
	[tilespmem:s22+$0x0] =	vst v45  }
0x99: {  	v48 =	vadd.s32 s20, v6;
	[tilespmem:s24+$0x10] =	vst v47  }
0x9a: {  	v28 =	vmul.f32 v28, v25;
	v25 =	vmul.f32 v29, v25;
	v29 =	vadd.s32 $0x9D08, v27;
	[tilespmem:s22+$0x10] =	vst v26  }
0x9b: {  	v49 =	vadd.s32 s20, v9;
	v50 =	vadd.s32 s20, v11;
	v26 =	vand.u32 $0x1FF8, v48;
	[tilespmem:s24+$0x20] =	vst v29  }
0x9c: {  	v27 =	vadd.s32 $0x9D09, v27;
	v26 =	vor.u32 v8, v26;
	v29 =	vand.u32 $0x1FF8, v49;
	[tilespmem:s22+$0x20] =	vst v25  }
0x9d: {  	v25 =	vor.u32 v10, v29;
	v29 =	vand.u32 $0x1FF8, v50;
	[tilespmem:s24+$0x30] =	vst v27  }
0x9e: {  	s0 =	sadd.s32 $0x10, s21;
	s24 =	sand.u32 $0xC0, s23;
	v29 =	vor.u32 v12, v29;
	[tilespmem:s22+$0x30] =	vst v28  }
0x9f: {  	s21 =	sshrl.u32 s24, $0x2;
	[tilespmem:s0+$0x0] =	vst v27  }
0xa0: {  	[tilespmem:s21+$0x1800] =	vst v27  }
0xa1: {  	[tilespmem:v26+s9+$0x0] =	vst.idx.msk $0xffff, v22  }
0xa2: {  	[tilespmem:v25+s9+$0x0] =	vst.idx.msk $0xffff, v23  }
0xa3: {  	s0 =	simm.s32 $0x600;
	[tilespmem:v29+s9+$0x0] =	vst.idx.msk $0xffff, v24  }
0xa4: {  	[tilespmem:s12], [sflag:$0x1] =	stream.indirect.gather [hbm4b:s4+s10], $0x4, s0, s10, $0xb8;
	[tilespmem:$0xDC80] =	vst v63  }
0xa5: {  	s25 =	simm.s32 $0x700;
	s26 =	simm.s32 $0x3E80  }
0xa6: {  	[tilespmem:s26], [sflag:$0x1] =	stream.indirect.gather [hbm4b:s4+s10], $0x4, s25, s10, $0xb8;
	[tilespmem:$0xDC80] =	vst v63  }
0xa7: {  	s30 =	simm.s32 $0x800;
	s31 =	simm.s32 $0x4280  }
0xa8: {  	[tilespmem:s31], [sflag:$0x1] =	stream.indirect.gather [hbm4b:s4+s10], $0x4, s30, s10, $0xb8;
	[tilespmem:$0xDC80] =	vst v63  }
0xa9: {  	s22 =	simm.s32 $0x4680;
	s21 =	simm.s32 $0x900  }
0xaa: {  	[tilespmem:s22], [sflag:$0x1] =	stream.indirect.gather [hbm4b:s4+s10], $0x4, s21, s10, $0xb8;
	[tilespmem:$0xDC80] =	vst v63  }
0xab: {  	s23 =	simm.s32 $0xA00;
	s24 =	simm.s32 $0x4A80  }
0xac: {  	[tilespmem:s24], [sflag:$0x1] =	stream.indirect.gather [hbm4b:s4+s10], $0x4, s23, s10, $0xb8;
	[tilespmem:$0xDC80] =	vst v63  }
0xad: {  	s25 =	simm.s32 $0xB00;
	s26 =	simm.s32 $0x4E80  }
0xae: {  	[tilespmem:s26], [sflag:$0x1] =	stream.indirect.gather [hbm4b:s4+s10], $0x4, s25, s10, $0xb8;
	[tilespmem:$0xDC80] =	vst v63  }
0xaf: {  	s30 =	simm.s32 $0xC00;
	s31 =	simm.s32 $0x5280  }
0xb0: {  	[tilespmem:s31], [sflag:$0x1] =	stream.indirect.gather [hbm4b:s4+s10], $0x4, s30, s10, $0xb8;
	[tilespmem:$0xDC80] =	vst v63  }
0xb1: {  	s20 =	simm.s32 $0xD00;
	s21 =	simm.s32 $0x5680  }
0xb2: {  	[tilespmem:s21], [sflag:$0x1] =	stream.indirect.gather [hbm4b:s4+s10], $0x4, s20, s10, $0xb8;
	[tilespmem:$0xDC80] =	vst v63  }
0xb3: {  	_ =	swait.ge [sflag:s28], $0x200  }
0xb4: {  	[sflag:s28] =	ssyncset.done $0x0  }
0xb5: {  	[sflag:s28] =	ssyncadd.s32 $0xFFFFFE00  }
0xb6: {  	_ =	swait.ge [sflag:s28], $0x200  }
0xb7: {  	[sflag:s28] =	ssyncset.done $0x0  }
0xb8: {  	[sflag:s28] =	ssyncadd.s32 $0xFFFFFE00  }
0xb9: {  	_ =	swait.ge [sflag:s28], $0x200  }
0xba: {  	[sflag:s28] =	ssyncset.done $0x0  }
0xbb: {  	[sflag:s28] =	ssyncadd.s32 $0xFFFFFE00  }
0xbc: {  	_ =	swait.ge [sflag:s28], $0x200  }
0xbd: {  	[sflag:s28] =	ssyncset.done $0x0  }
0xbe: {  	[sflag:s28] =	ssyncadd.s32 $0xFFFFFE00  }
0xbf: {  	_ =	swait.ge [sflag:s28], $0x200  }
0xc0: {  	[sflag:s28] =	ssyncset.done $0x0  }
0xc1: {  	[sflag:s28] =	ssyncadd.s32 $0xFFFFFE00  }
0xc2: {  	_ =	swait.ge [sflag:s28], $0x200  }
0xc3: {  	[sflag:s28] =	ssyncset.done $0x0  }
0xc4: {  	[sflag:s28] =	ssyncadd.s32 $0xFFFFFE00  }
0xc5: {  	_ =	swait.ge [sflag:s28], $0x200  }
0xc6: {  	[sflag:s28] =	ssyncset.done $0x0  }
0xc7: {  	[sflag:s28] =	ssyncadd.s32 $0xFFFFFE00  }
0xc8: {  	_ =	swait.ge [sflag:s28], $0x200  }
0xc9: {  	[sflag:s28] =	ssyncset.done $0x0  }
0xca: {  	s22 =	simm.s32 $0xE00;
	s23 =	simm.s32 $0x5A80;
	[sflag:s28] =	ssyncadd.s32 $0xFFFFFE00  }
0xcb: {  	[tilespmem:s23], [sflag:$0x1] =	stream.indirect.gather [hbm4b:s4+s10], $0x4, s22, s10, $0xb8;
	[tilespmem:$0xDC80] =	vst v63  }
0xcc: {  	s24 =	simm.s32 $0xF00;
	s25 =	simm.s32 $0x5E80  }
0xcd: {  	[tilespmem:s25], [sflag:$0x1] =	stream.indirect.gather [hbm4b:s4+s10], $0x4, s24, s10, $0xb8;
	[tilespmem:$0xDC80] =	vst v63  }
0xce: {  	s26 =	simm.s32 $0x6280;
	s21 =	simm.s32 $0x1000  }
0xcf: {  	[tilespmem:s26], [sflag:$0x1] =	stream.indirect.gather [hbm4b:s4+s10], $0x4, s21, s10, $0xb8;
	[tilespmem:$0xDC80] =	vst v63  }
0xd0: {  	s30 =	simm.s32 $0x1100;
	s31 =	simm.s32 $0x6680  }
0xd1: {  	[tilespmem:s31], [sflag:$0x1] =	stream.indirect.gather [hbm4b:s4+s10], $0x4, s30, s10, $0xb8;
	[tilespmem:$0xDC80] =	vst v63  }
0xd2: {  	s20 =	simm.s32 $0x1200;
	s22 =	simm.s32 $0x6A80  }
0xd3: {  	[tilespmem:s22], [sflag:$0x1] =	stream.indirect.gather [hbm4b:s4+s10], $0x4, s20, s10, $0xb8;
	[tilespmem:$0xDC80] =	vst v63  }
0xd4: {  	s23 =	simm.s32 $0x1300;
	s24 =	simm.s32 $0x6E80  }
0xd5: {  	[tilespmem:s24], [sflag:$0x1] =	stream.indirect.gather [hbm4b:s4+s10], $0x4, s23, s10, $0xb8;
	[tilespmem:$0xDC80] =	vst v63  }
0xd6: {  	s25 =	simm.s32 $0x1400;
	s26 =	simm.s32 $0x7280  }
0xd7: {  	[tilespmem:s26], [sflag:$0x1] =	stream.indirect.gather [hbm4b:s4+s10], $0x4, s25, s10, $0xb8;
	[tilespmem:$0xDC80] =	vst v63  }
0xd8: {  	s30 =	simm.s32 $0x1500;
	s31 =	simm.s32 $0x7680  }
0xd9: {  	[tilespmem:s31], [sflag:$0x1] =	stream.indirect.gather [hbm4b:s4+s10], $0x4, s30, s10, $0xb8;
	[tilespmem:$0xDC80] =	vst v63  }
0xda: {  	_ =	swait.ge [sflag:s28], $0x200  }
0xdb: {  	[sflag:s28] =	ssyncset.done $0x0  }
0xdc: {  	[sflag:s28] =	ssyncadd.s32 $0xFFFFFE00  }
0xdd: {  	_ =	swait.ge [sflag:s28], $0x200  }
0xde: {  	[sflag:s28] =	ssyncset.done $0x0  }
0xdf: {  	[sflag:s28] =	ssyncadd.s32 $0xFFFFFE00  }
0xe0: {  	_ =	swait.ge [sflag:s28], $0x200  }
0xe1: {  	[sflag:s28] =	ssyncset.done $0x0  }
0xe2: {  	[sflag:s28] =	ssyncadd.s32 $0xFFFFFE00  }
0xe3: {  	_ =	swait.ge [sflag:s28], $0x200  }
0xe4: {  	[sflag:s28] =	ssyncset.done $0x0  }
0xe5: {  	[sflag:s28] =	ssyncadd.s32 $0xFFFFFE00  }
0xe6: {  	_ =	swait.ge [sflag:s28], $0x200  }
0xe7: {  	[sflag:s28] =	ssyncset.done $0x0  }
0xe8: {  	[sflag:s28] =	ssyncadd.s32 $0xFFFFFE00  }
0xe9: {  	_ =	swait.ge [sflag:s28], $0x200  }
0xea: {  	[sflag:s28] =	ssyncset.done $0x0  }
0xeb: {  	[sflag:s28] =	ssyncadd.s32 $0xFFFFFE00  }
0xec: {  	_ =	swait.ge [sflag:s28], $0x200  }
0xed: {  	[sflag:s28] =	ssyncset.done $0x0  }
0xee: {  	[sflag:s28] =	ssyncadd.s32 $0xFFFFFE00  }
0xef: {  	_ =	swait.ge [sflag:s28], $0x200  }
0xf0: {  	[sflag:s28] =	ssyncset.done $0x0  }
0xf1: {  	s20 =	simm.s32 $0x1600;
	s22 =	simm.s32 $0x7A80;
	[sflag:s28] =	ssyncadd.s32 $0xFFFFFE00  }
0xf2: {  	[tilespmem:s22], [sflag:$0x1] =	stream.indirect.gather [hbm4b:s4+s10], $0x4, s20, s10, $0xb8;
	[tilespmem:$0xDC80] =	vst v63  }
0xf3: {  	s23 =	simm.s32 $0x1700;
	s24 =	simm.s32 $0x7E80  }
0xf4: {  	[tilespmem:s24], [sflag:$0x1] =	stream.indirect.gather [hbm4b:s4+s10], $0x4, s23, s10, $0xb8;
	[tilespmem:$0xDC80] =	vst v63  }
0xf5: {  	s25 =	simm.s32 $0x1800;
	s26 =	simm.s32 $0x8280  }
0xf6: {  	[tilespmem:s26], [sflag:$0x1] =	stream.indirect.gather [hbm4b:s4+s10], $0x4, s25, s10, $0xb8;
	[tilespmem:$0xDC80] =	vst v63  }
0xf7: {  	s30 =	simm.s32 $0x1900;
	s31 =	simm.s32 $0x8680  }
0xf8: {  	[tilespmem:s31], [sflag:$0x1] =	stream.indirect.gather [hbm4b:s4+s10], $0x4, s30, s10, $0xb8;
	[tilespmem:$0xDC80] =	vst v63  }
0xf9: {  	s20 =	simm.s32 $0x1A00;
	s22 =	simm.s32 $0x8A80  }
0xfa: {  	[tilespmem:s22], [sflag:$0x1] =	stream.indirect.gather [hbm4b:s4+s10], $0x4, s20, s10, $0xb8;
	[tilespmem:$0xDC80] =	vst v63  }
0xfb: {  	s23 =	simm.s32 $0x1B00;
	s24 =	simm.s32 $0x8E80  }
0xfc: {  	[tilespmem:s24], [sflag:$0x1] =	stream.indirect.gather [hbm4b:s4+s10], $0x4, s23, s10, $0xb8;
	[tilespmem:$0xDC80] =	vst v63  }
0xfd: {  	s25 =	simm.s32 $0x1C00;
	s26 =	simm.s32 $0x9280  }
0xfe: {  	[tilespmem:s26], [sflag:$0x1] =	stream.indirect.gather [hbm4b:s4+s10], $0x4, s25, s10, $0xb8;
	[tilespmem:$0xDC80] =	vst v63  }
0xff: {  	s30 =	simm.s32 $0x1D00;
	s31 =	simm.s32 $0x9680  }
0x100: {  	[tilespmem:s31], [sflag:$0x1] =	stream.indirect.gather [hbm4b:s4+s10], $0x4, s30, s10, $0xb8;
	[tilespmem:$0xDC80] =	vst v63  }
0x101: {  	_ =	swait.ge [sflag:s28], $0x200  }
0x102: {  	[sflag:s28] =	ssyncset.done $0x0  }
0x103: {  	[sflag:s28] =	ssyncadd.s32 $0xFFFFFE00  }
0x104: {  	_ =	swait.ge [sflag:s28], $0x200  }
0x105: {  	[sflag:s28] =	ssyncset.done $0x0  }
0x106: {  	[sflag:s28] =	ssyncadd.s32 $0xFFFFFE00  }
0x107: {  	_ =	swait.ge [sflag:s28], $0x200  }
0x108: {  	[sflag:s28] =	ssyncset.done $0x0  }
0x109: {  	[sflag:s28] =	ssyncadd.s32 $0xFFFFFE00  }
0x10a: {  	_ =	swait.ge [sflag:s28], $0x200  }
0x10b: {  	[sflag:s28] =	ssyncset.done $0x0  }
0x10c: {  	[sflag:s28] =	ssyncadd.s32 $0xFFFFFE00  }
0x10d: {  	_ =	swait.ge [sflag:s28], $0x200  }
0x10e: {  	[sflag:s28] =	ssyncset.done $0x0  }
0x10f: {  	[sflag:s28] =	ssyncadd.s32 $0xFFFFFE00  }
0x110: {  	_ =	swait.ge [sflag:s28], $0x200  }
0x111: {  	[sflag:s28] =	ssyncset.done $0x0  }
0x112: {  	[sflag:s28] =	ssyncadd.s32 $0xFFFFFE00  }
0x113: {  	_ =	swait.ge [sflag:s28], $0x200  }
0x114: {  	[sflag:s28] =	ssyncset.done $0x0  }
0x115: {  	[sflag:s28] =	ssyncadd.s32 $0xFFFFFE00  }
0x116: {  	_ =	swait.ge [sflag:s28], $0x200  }
0x117: {  	[sflag:s28] =	ssyncset.done $0x0  }
0x118: {  	s20 =	simm.s32 $0x1E00;
	s22 =	simm.s32 $0x9A80;
	[sflag:s28] =	ssyncadd.s32 $0xFFFFFE00  }
0x119: {  	[tilespmem:s22], [sflag:$0x1] =	stream.indirect.gather [hbm4b:s4+s10], $0x4, s20, s10, $0xb8;
	[tilespmem:$0xDC80] =	vst v63  }
0x11a: {  	s23 =	simm.s32 $0x1F00;
	s24 =	simm.s32 $0x9E80  }
0x11b: {  	[tilespmem:s24], [sflag:$0x1] =	stream.indirect.gather [hbm4b:s4+s10], $0x4, s23, s10, $0xb8;
	[tilespmem:$0xDC80] =	vst v63  }
0x11c: {  	s25 =	simm.s32 $0x2000;
	s26 =	simm.s32 $0xA280  }
0x11d: {  	[tilespmem:s26], [sflag:$0x1] =	stream.indirect.gather [hbm4b:s4+s10], $0x4, s25, s10, $0xb8;
	[tilespmem:$0xDC80] =	vst v63  }
0x11e: {  	s30 =	simm.s32 $0x2100;
	s31 =	simm.s32 $0xA680  }
0x11f: {  	[tilespmem:s31], [sflag:$0x1] =	stream.indirect.gather [hbm4b:s4+s10], $0x4, s30, s10, $0xb8;
	[tilespmem:$0xDC80] =	vst v63  }
0x120: {  	s20 =	simm.s32 $0x2200;
	s22 =	simm.s32 $0xAA80  }
0x121: {  	[tilespmem:s22], [sflag:$0x1] =	stream.indirect.gather [hbm4b:s4+s10], $0x4, s20, s10, $0xb8;
	[tilespmem:$0xDC80] =	vst v63  }
0x122: {  	s23 =	simm.s32 $0x2300;
	s24 =	simm.s32 $0xAE80  }
0x123: {  	[tilespmem:s24], [sflag:$0x1] =	stream.indirect.gather [hbm4b:s4+s10], $0x4, s23, s10, $0xb8;
	[tilespmem:$0xDC80] =	vst v63  }
0x124: {  	s25 =	simm.s32 $0x2400;
	s26 =	simm.s32 $0xB280  }
0x125: {  	[tilespmem:s26], [sflag:$0x1] =	stream.indirect.gather [hbm4b:s4+s10], $0x4, s25, s10, $0xb8;
	[tilespmem:$0xDC80] =	vst v63  }
0x126: {  	s30 =	simm.s32 $0x2500;
	s31 =	simm.s32 $0xB680  }
0x127: {  	[tilespmem:s31], [sflag:$0x1] =	stream.indirect.gather [hbm4b:s4+s10], $0x4, s30, s10, $0xb8;
	[tilespmem:$0xDC80] =	vst v63  }
0x128: {  	_ =	swait.ge [sflag:s28], $0x200  }
0x129: {  	[sflag:s28] =	ssyncset.done $0x0  }
0x12a: {  	[sflag:s28] =	ssyncadd.s32 $0xFFFFFE00  }
0x12b: {  	_ =	swait.ge [sflag:s28], $0x200  }
0x12c: {  	[sflag:s28] =	ssyncset.done $0x0  }
0x12d: {  	[sflag:s28] =	ssyncadd.s32 $0xFFFFFE00  }
0x12e: {  	_ =	swait.ge [sflag:s28], $0x200  }
0x12f: {  	[sflag:s28] =	ssyncset.done $0x0  }
0x130: {  	[sflag:s28] =	ssyncadd.s32 $0xFFFFFE00  }
0x131: {  	_ =	swait.ge [sflag:s28], $0x200  }
0x132: {  	[sflag:s28] =	ssyncset.done $0x0  }
0x133: {  	[sflag:s28] =	ssyncadd.s32 $0xFFFFFE00  }
0x134: {  	_ =	swait.ge [sflag:s28], $0x200  }
0x135: {  	[sflag:s28] =	ssyncset.done $0x0  }
0x136: {  	[sflag:s28] =	ssyncadd.s32 $0xFFFFFE00  }
0x137: {  	_ =	swait.ge [sflag:s28], $0x200  }
0x138: {  	[sflag:s28] =	ssyncset.done $0x0  }
0x139: {  	[sflag:s28] =	ssyncadd.s32 $0xFFFFFE00  }
0x13a: {  	_ =	swait.ge [sflag:s28], $0x200  }
0x13b: {  	[sflag:s28] =	ssyncset.done $0x0  }
0x13c: {  	[sflag:s28] =	ssyncadd.s32 $0xFFFFFE00  }
0x13d: {  	_ =	swait.ge [sflag:s28], $0x200  }
0x13e: {  	[sflag:s28] =	ssyncset.done $0x0  }
0x13f: {  	s20 =	simm.s32 $0x2600;
	[sflag:s28] =	ssyncadd.s32 $0xFFFFFE00  }
0x140: {  	[tilespmem:s3], [sflag:$0x1] =	stream.indirect.gather [hbm4b:s4+s10], $0x4, s20, s10, $0xb8;
	[tilespmem:$0xDC80] =	vst v63  }
0x141: {  	_ = 	snop  }
0x142: {  	[tilespmem:s1], [sflag:$0x1] =	stream.indirect.gather [hbm4b:s4+s10], $0x4, s7, s10, $0xb8;
	[tilespmem:$0xDC80] =	vst v63  }
0x143: {  	_ = 	snop  }
0x144: {  	[tilespmem:s13], [sflag:$0x1] =	stream.indirect.gather [hbm4b:s4+s10], $0x4, s11, s10, $0xb8;
	[tilespmem:$0xDC80] =	vst v63  }
0x145: {  	_ = 	snop  }
0x146: {  	[tilespmem:s15], [sflag:$0x1] =	stream.indirect.gather [hbm4b:s4+s10], $0x4, s14, s10, $0xb8;
	[tilespmem:$0xDC80] =	vst v63  }
0x147: {  	_ = 	snop  }
0x148: {  	[tilespmem:s17], [sflag:$0x1] =	stream.indirect.gather [hbm4b:s4+s10], $0x4, s16, s10, $0xb8;
	[tilespmem:$0xDC80] =	vst v63  }
0x149: {  	_ =	swait.ge [sflag:s28], $0x200  }
0x14a: {  	[sflag:s28] =	ssyncset.done $0x0  }
0x14b: {  	[sflag:s28] =	ssyncadd.s32 $0xFFFFFE00  }
0x14c: {  	_ =	swait.ge [sflag:s28], $0x200  }
0x14d: {  	[sflag:s28] =	ssyncset.done $0x0  }
0x14e: {  	[sflag:s28] =	ssyncadd.s32 $0xFFFFFE00  }
0x14f: {  	_ =	swait.ge [sflag:s28], $0x200  }
0x150: {  	[sflag:s28] =	ssyncset.done $0x0  }
0x151: {  	s22 =	simm.s32 $0x0;
	[sflag:s28] =	ssyncadd.s32 $0xFFFFFE00  }
0x152: {  	v22 =	vmov s22;
	s23 =	simm.s32 $0x10;
	_ =	swait.ge [sflag:s28], $0x200  }
0x153: {  	v22 =	vshll.u32 v22, $0x3;
	v23 =	vmov s23;
	[sflag:s28] =	ssyncset.done $0x0  }
0x154: {  	s24 =	simm.s32 $0x20;
	v24 =	vshll.u32 v23, $0x3;
	v23 =	vor.u32 v13, v22;
	[sflag:s28] =	ssyncadd.s32 $0xFFFFFE00  }
0x155: {  	v22 =	vmov s24;
	v24 =	vor.u32 v13, v24;
	_ =	swait.ge [sflag:s28], $0x200  }
0x156: {  	s25 =	simm.s32 $0x30;
	v22 =	vshll.u32 v22, $0x3;
	[sflag:s28] =	ssyncset.done $0x0  }
0x157: {  	s22 =	simm.s32 $0x2AC0;
	v26 =	vmov s25;
	v25 =	vor.u32 v13, v22;
	[sflag:s28] =	ssyncadd.s32 $0xFFFFFE00  }
0x158: {  	s26 =	simm.s32 $0x40;
	v26 =	vshll.u32 v26, $0x3;
	v22 =	vld [tilespmem:s22+$0xFFFFFFC0]  }
0x159: {  	v27 =	vor.u32 v13, v26;
	v26 =	vmov s26;
	v28 =	vld.idx.msk [tilespmem:v23+s12+$0x0], $0xffff  }
0x15a: {  	s30 =	simm.s32 $0x50;
	v51 =	vshll.u32 v26, $0x3;
	s20 =	simm.s32 $0x0;
	v29 =	vld.idx.msk [tilespmem:v24+s12+$0x0], $0xffff  }
0x15b: {  	v52 =	vmov s30;
	v30 =	vor.u32 v13, v51;
	s31 =	sand.u32 $0x30, s20;
	v26 =	vld [tilespmem:s22+$0xFFFFFFD0]  }
0x15c: {  	s0 =	simm.s32 $0x60;
	v31 =	vshll.u32 v52, $0x3;
	s25 =	sand.u32 $0x7, s20;
	s24 =	sor.u32 $0x1200, s31;
	v53 =	vld.idx.msk [tilespmem:v25+s12+$0x0], $0xffff  }
0x15d: {  	v35 =	vmov s0;
	v31 =	vor.u32 v13, v31;
	p0 =	seq.s32 s25, $0x7;
	v54 =	vmov s24;
	v33 =	vld [tilespmem:s22+$0xFFFFFFE0]  }
0x15e: {  	v35 =	vshll.u32 v35, $0x3;
	s26 =	simm.s32 $0x70;
	v34 =	vpsel !p0, s21, v54;
	v36 =	vld.idx.msk [tilespmem:v27+s12+$0x0], $0xffff  }
0x15f: {  	v35 =	vor.u32 v13, v35;
	v34 =	vsel vm0, s26, v34;
	v37 =	vld [tilespmem:s22+$0xFFFFFFF0]  }
0x160: {  	v34 =	vshll.u32 v34, $0x3;
	v38 =	vld.idx.msk [tilespmem:v30+s12+$0x0], $0xffff;
	v28 =	vmul.f32 v28, v22;
	v29 =	vmul.f32 v29, v26  }
0x161: {  	v34 =	vor.u32 v13, v34;
	v39 =	vld [tilespmem:s22+$0x0]  }
0x162: {  	v55 =	vld.idx.msk [tilespmem:v31+s12+$0x0], $0xffff;
	v28 =	vadd.f32 v29, v28;
	v29 =	vmul.f32 v53, v33  }
0x163: {  	v40 =	vld [tilespmem:s22+$0x10]  }
0x164: {  	v56 =	vld.idx.msk [tilespmem:v35+s12+$0x0], $0xffff;
	v28 =	vadd.f32 v29, v28;
	v29 =	vmul.f32 v36, v37  }
0x165: {  	v41 =	vld [tilespmem:s22+$0x20]  }
0x166: {  	v57 =	vld.idx.msk [tilespmem:v34+s12+$0x0], $0xffff;
	v28 =	vadd.f32 v29, v28;
	v29 =	vmul.f32 v38, v39  }
0x167: {  	v42 =	vld [tilespmem:s22+$0x30]  }
0x168: {  	v28 =	vadd.f32 v29, v28;
	v29 =	vmul.f32 v55, v40  }
0x169: {  	v58 =	vadd.s32 s20, v14  }
0x16a: {  	v32 =	vand.u32 $0x1FF8, v58;
	v28 =	vadd.f32 v29, v28;
	v29 =	vmul.f32 v56, v41  }
0x16b: {  	v32 =	vor.u32 v15, v32  }
0x16c: {  	v59 =	vor.u32 $0x1, v23;
	v28 =	vadd.f32 v29, v28;
	v29 =	vmul.f32 v57, v42  }
0x16d: {  	v60 =	vor.u32 $0x1, v24  }
0x16e: {  	v28 =	vadd.f32 v29, v28  }
0x16f: {  	v29 =	vor.u32 $0x1, v25  }
0x170: {  	[tilespmem:v32+s9+$0x0] =	vst.idx.msk $0xffff, v28  }
0x171: {  	v61 =	vor.u32 $0x1, v27;
	v28 =	vld.idx.msk [tilespmem:v59+s12+$0x0], $0xffff  }
0x172: {  	v62 =	vld.idx.msk [tilespmem:v60+s12+$0x0], $0xffff  }
0x173: {  	v63 =	vor.u32 $0x1, v30  }
0x174: {  	v29 =	vld.idx.msk [tilespmem:v29+s12+$0x0], $0xffff  }
0x175: {  	v43 =	vor.u32 $0x1, v31  }
0x176: {  	v32 =	vld.idx.msk [tilespmem:v61+s12+$0x0], $0xffff  }
0x177: {  	v44 =	vor.u32 $0x1, v35;
	v28 =	vmul.f32 v28, v22;
	v36 =	vmul.f32 v62, v26  }
0x178: {  	v38 =	vld.idx.msk [tilespmem:v63+s12+$0x0], $0xffff  }
0x179: {  	v45 =	vor.u32 $0x1, v34;
	v28 =	vadd.f32 v36, v28;
	v29 =	vmul.f32 v29, v33  }
0x17a: {  	v43 =	vld.idx.msk [tilespmem:v43+s12+$0x0], $0xffff  }
0x17b: {  	v28 =	vadd.f32 v29, v28;
	v29 =	vmul.f32 v32, v37  }
0x17c: {  	v44 =	vld.idx.msk [tilespmem:v44+s12+$0x0], $0xffff  }
0x17d: {  	v28 =	vadd.f32 v29, v28;
	v29 =	vmul.f32 v38, v39  }
0x17e: {  	v46 =	vld.idx.msk [tilespmem:v45+s12+$0x0], $0xffff  }
0x17f: {  	v28 =	vadd.f32 v29, v28;
	v29 =	vmul.f32 v43, v40  }
0x180: {  	v47 =	vadd.s32 s20, v16  }
0x181: {  	v48 =	vand.u32 $0x1FF8, v47;
	v28 =	vadd.f32 v29, v28;
	v29 =	vmul.f32 v44, v41  }
0x182: {  	v32 =	vor.u32 v17, v48  }
0x183: {  	v49 =	vor.u32 $0x2, v23;
	v28 =	vadd.f32 v29, v28;
	v29 =	vmul.f32 v46, v42  }
0x184: {  	v50 =	vor.u32 $0x2, v24  }
0x185: {  	v28 =	vadd.f32 v29, v28  }
0x186: {  	v29 =	vor.u32 $0x2, v25  }
0x187: {  	[tilespmem:v32+s9+$0x0] =	vst.idx.msk $0xffff, v28  }
0x188: {  	v51 =	vor.u32 $0x2, v27;
	v28 =	vld.idx.msk [tilespmem:v49+s12+$0x0], $0xffff  }
0x189: {  	v52 =	vld.idx.msk [tilespmem:v50+s12+$0x0], $0xffff  }
0x18a: {  	v53 =	vor.u32 $0x2, v30  }
0x18b: {  	v29 =	vld.idx.msk [tilespmem:v29+s12+$0x0], $0xffff  }
0x18c: {  	v54 =	vor.u32 $0x2, v31  }
0x18d: {  	v32 =	vld.idx.msk [tilespmem:v51+s12+$0x0], $0xffff  }
0x18e: {  	v55 =	vor.u32 $0x2, v35;
	v28 =	vmul.f32 v28, v22;
	v36 =	vmul.f32 v52, v26  }
0x18f: {  	v38 =	vld.idx.msk [tilespmem:v53+s12+$0x0], $0xffff  }
0x190: {  	v56 =	vor.u32 $0x2, v34;
	v28 =	vadd.f32 v36, v28;
	v29 =	vmul.f32 v29, v33  }
0x191: {  	v57 =	vld.idx.msk [tilespmem:v54+s12+$0x0], $0xffff  }
0x192: {  	v28 =	vadd.f32 v29, v28;
	v29 =	vmul.f32 v32, v37  }
0x193: {  	v58 =	vld.idx.msk [tilespmem:v55+s12+$0x0], $0xffff  }
0x194: {  	v28 =	vadd.f32 v29, v28;
	v29 =	vmul.f32 v38, v39  }
0x195: {  	v59 =	vld.idx.msk [tilespmem:v56+s12+$0x0], $0xffff  }
0x196: {  	v28 =	vadd.f32 v29, v28;
	v29 =	vmul.f32 v57, v40  }
0x197: {  	v60 =	vadd.s32 s20, v18  }
0x198: {  	v61 =	vand.u32 $0x1FF8, v60;
	v28 =	vadd.f32 v29, v28;
	v29 =	vmul.f32 v58, v41  }
0x199: {  	v32 =	vor.u32 v19, v61  }
0x19a: {  	v23 =	vor.u32 $0x3, v23;
	v28 =	vadd.f32 v29, v28;
	v29 =	vmul.f32 v59, v42  }
0x19b: {  	v24 =	vor.u32 $0x3, v24  }
0x19c: {  	v28 =	vadd.f32 v29, v28  }
0x19d: {  	v25 =	vor.u32 $0x3, v25  }
0x19e: {  	[tilespmem:v32+s9+$0x0] =	vst.idx.msk $0xffff, v28  }
0x19f: {  	v27 =	vor.u32 $0x3, v27;
	v23 =	vld.idx.msk [tilespmem:v23+s12+$0x0], $0xffff  }
0x1a0: {  	v24 =	vld.idx.msk [tilespmem:v24+s12+$0x0], $0xffff  }
0x1a1: {  	v28 =	vor.u32 $0x3, v30  }
0x1a2: {  	v29 =	vor.u32 $0x3, v31;
	v25 =	vld.idx.msk [tilespmem:v25+s12+$0x0], $0xffff  }
0x1a3: {  	v62 =	vor.u32 $0x3, v34  }
0x1a4: {  	v27 =	vld.idx.msk [tilespmem:v27+s12+$0x0], $0xffff  }
0x1a5: {  	v63 =	vor.u32 $0x3, v35;
	v22 =	vmul.f32 v23, v22;
	v23 =	vmul.f32 v24, v26  }
0x1a6: {  	v24 =	vld.idx.msk [tilespmem:v28+s12+$0x0], $0xffff  }
0x1a7: {  	v22 =	vadd.f32 v23, v22;
	v23 =	vmul.f32 v25, v33;
	v25 =	vld.idx.msk [tilespmem:v29+s12+$0x0], $0xffff  }
0x1a8: {  	v26 =	vld.idx.msk [tilespmem:v62+s12+$0x0], $0xffff  }
0x1a9: {  	v22 =	vadd.f32 v23, v22;
	v23 =	vmul.f32 v27, v37  }
0x1aa: {  	v27 =	vld.idx.msk [tilespmem:v63+s12+$0x0], $0xffff  }
0x1ab: {  	v22 =	vadd.f32 v23, v22;
	v23 =	vmul.f32 v24, v39  }
0x1ac: {  	v24 =	vmul.f32 v25, v40;
	v25 =	vadd.s32 s20, v20  }
0x1ad: {  	s29 =	simm.s32 $0x170;
	s31 =	simm.s32 $0x90;
	v23 =	vadd.f32 v23, v22;
	v22 =	vmul.f32 v26, v42;
	v26 =	vand.u32 $0x1FF8, v25  }
0x1ae: {  	s23 =	simm.s32 $0xF0;
	s30 =	simm.s32 $0x80;
	s25 =	simm.s32 $0x2;
	v25 =	vmov s31;
	v26 =	vor.u32 v21, v26  }
0x1af: {  	s24 =	simm.s32 $0x1010;
	s21 =	simm.s32 $0x0;
	s22 =	simm.s32 $0x2B40;
	v23 =	vadd.f32 v24, v23;
	v24 =	vmul.f32 v27, v41;
	v27 =	vmov s30  }
.LBB2_5:
0x1b0: {  	s20 =	sadd.s32 $0x1, s20  }
0x1b1: {  	v27 =	vshll.u32 v27, $0x3;
	v28 =	vshll.u32 v25, $0x3;
	v23 =	vadd.f32 v24, v23;
	s21 =	sadd.s32 $0x70, s21;
	s30 =	smov.u32 s29;
	s26 =	sadd.s32 $0x80, s29  }
0x1b2: {  	p0 =	sne.s32 s29, $0xFF0;
	s29 =	sadd.s32 $0xFFFFFFB0, s23;
	v25 =	vor.u32 v13, v27;
	v24 =	vor.u32 v13, v28  }
0x1b3: {  	v27 =	vmov s29;
	v22 =	vadd.f32 v22, v23  }
0x1b4: {  	s29 =	sadd.s32 $0xFFFFFFC0, s23;
	v23 =	vshll.u32 v27, $0x3  }
0x1b5: {  	v27 =	vor.u32 v13, v23;
	v23 =	vmov s29;
	[tilespmem:v26+s9+$0x0] =	vst.idx.msk $0xffff, v22  }
0x1b6: {  	s29 =	sadd.s32 $0xFFFFFFD0, s23;
	v23 =	vshll.u32 v23, $0x3;
	v22 =	vld [tilespmem:s22+$0xFFFFFFC0]  }
0x1b7: {  	v29 =	vor.u32 v13, v23;
	v23 =	vmov s29;
	v30 =	vld.idx.msk [tilespmem:v25+s12+$0x0], $0xffff  }
0x1b8: {  	s29 =	sadd.s32 $0xFFFFFFE0, s23;
	v26 =	vshll.u32 v23, $0x3;
	v31 =	vld.idx.msk [tilespmem:v24+s12+$0x0], $0xffff  }
0x1b9: {  	s31 =	sand.u32 $0x30, s25;
	v33 =	vor.u32 v13, v26;
	v26 =	vmov s29;
	v23 =	vld [tilespmem:s22+$0xFFFFFFD0]  }
0x1ba: {  	s0 =	sand.u32 $0x7, s20;
	s31 =	sor.u32 $0x1200, s31;
	s29 =	sadd.s32 $0xFFFFFFF0, s23;
	v28 =	vshll.u32 v26, $0x3;
	v32 =	vld.idx.msk [tilespmem:v27+s12+$0x0], $0xffff  }
0x1bb: {  	v35 =	vmov s31;
	p1 =	seq.s32 s0, $0x7;
	v34 =	vor.u32 v13, v28;
	v28 =	vmov s29;
	v26 =	vld [tilespmem:s22+$0xFFFFFFE0]  }
0x1bc: {  	v35 =	vpsel !p1, s24, v35;
	v36 =	vshll.u32 v28, $0x3;
	v38 =	vld.idx.msk [tilespmem:v29+s12+$0x0], $0xffff  }
0x1bd: {  	v35 =	vsel vm0, s23, v35;
	s23 =	smov.u32 s30;
	v39 =	vmul.f32 v30, v22;
	v36 =	vor.u32 v13, v36;
	v28 =	vld [tilespmem:s22+$0xFFFFFFF0]  }
0x1be: {  	v35 =	vshll.u32 v35, $0x3;
	v31 =	vmul.f32 v31, v23;
	v40 =	vld.idx.msk [tilespmem:v33+s12+$0x0], $0xffff  }
0x1bf: {  	v37 =	vor.u32 v13, v35;
	v30 =	vld [tilespmem:s22+$0x0]  }
0x1c0: {  	v31 =	vadd.f32 v31, v39;
	v35 =	vmul.f32 v32, v26;
	v39 =	vld.idx.msk [tilespmem:v34+s12+$0x0], $0xffff  }
0x1c1: {  	v32 =	vld [tilespmem:s22+$0x10]  }
0x1c2: {  	v35 =	vadd.f32 v35, v31;
	v38 =	vmul.f32 v38, v28;
	v41 =	vld.idx.msk [tilespmem:v36+s12+$0x0], $0xffff  }
0x1c3: {  	v31 =	vld [tilespmem:s22+$0x20]  }
0x1c4: {  	v38 =	vadd.f32 v38, v35;
	v40 =	vmul.f32 v40, v30;
	v42 =	vld.idx.msk [tilespmem:v37+s12+$0x0], $0xffff  }
0x1c5: {  	v35 =	vld [tilespmem:s22+$0x30]  }
0x1c6: {  	v38 =	vadd.f32 v40, v38;
	v39 =	vmul.f32 v39, v32  }
0x1c7: {  	v40 =	vadd.s32 s21, v14  }
0x1c8: {  	v40 =	vand.u32 $0x1FF8, v40;
	v38 =	vadd.f32 v39, v38;
	v39 =	vmul.f32 v41, v31  }
0x1c9: {  	v40 =	vor.u32 v15, v40  }
0x1ca: {  	v41 =	vor.u32 $0x1, v25;
	v38 =	vadd.f32 v39, v38;
	v39 =	vmul.f32 v42, v35  }
0x1cb: {  	v42 =	vor.u32 $0x1, v24  }
0x1cc: {  	v38 =	vadd.f32 v39, v38  }
0x1cd: {  	v39 =	vor.u32 $0x1, v27  }
0x1ce: {  	[tilespmem:v40+s9+$0x0] =	vst.idx.msk $0xffff, v38  }
0x1cf: {  	v40 =	vor.u32 $0x1, v29;
	v38 =	vld.idx.msk [tilespmem:v41+s12+$0x0], $0xffff  }
0x1d0: {  	v41 =	vld.idx.msk [tilespmem:v42+s12+$0x0], $0xffff  }
0x1d1: {  	v42 =	vor.u32 $0x1, v33  }
0x1d2: {  	v39 =	vld.idx.msk [tilespmem:v39+s12+$0x0], $0xffff  }
0x1d3: {  	v43 =	vor.u32 $0x1, v34  }
0x1d4: {  	v40 =	vld.idx.msk [tilespmem:v40+s12+$0x0], $0xffff  }
0x1d5: {  	v44 =	vor.u32 $0x1, v36;
	v38 =	vmul.f32 v38, v22  }
0x1d6: {  	v41 =	vmul.f32 v41, v23;
	v42 =	vld.idx.msk [tilespmem:v42+s12+$0x0], $0xffff  }
0x1d7: {  	v45 =	vor.u32 $0x1, v37  }
0x1d8: {  	v38 =	vadd.f32 v41, v38;
	v39 =	vmul.f32 v39, v26;
	v41 =	vld.idx.msk [tilespmem:v43+s12+$0x0], $0xffff;
	_ =	sdelay $0x1  }
0x1d9: {  	v38 =	vadd.f32 v39, v38;
	v39 =	vmul.f32 v40, v28;
	v40 =	vld.idx.msk [tilespmem:v44+s12+$0x0], $0xffff;
	_ =	sdelay $0x1  }
0x1da: {  	v38 =	vadd.f32 v39, v38;
	v39 =	vmul.f32 v42, v30;
	v42 =	vld.idx.msk [tilespmem:v45+s12+$0x0], $0xffff;
	_ =	sdelay $0x1  }
0x1db: {  	v38 =	vadd.f32 v39, v38;
	v39 =	vmul.f32 v41, v32  }
0x1dc: {  	v41 =	vadd.s32 s21, v16  }
0x1dd: {  	v38 =	vadd.f32 v39, v38;
	v39 =	vmul.f32 v40, v31;
	v40 =	vand.u32 $0x1FF8, v41  }
0x1de: {  	v40 =	vor.u32 v17, v40  }
0x1df: {  	v41 =	vor.u32 $0x2, v25;
	v38 =	vadd.f32 v39, v38;
	v39 =	vmul.f32 v42, v35  }
0x1e0: {  	v42 =	vor.u32 $0x2, v24  }
0x1e1: {  	v38 =	vadd.f32 v39, v38  }
0x1e2: {  	v39 =	vor.u32 $0x2, v27  }
0x1e3: {  	[tilespmem:v40+s9+$0x0] =	vst.idx.msk $0xffff, v38  }
0x1e4: {  	v40 =	vor.u32 $0x2, v29;
	v38 =	vld.idx.msk [tilespmem:v41+s12+$0x0], $0xffff  }
0x1e5: {  	v41 =	vld.idx.msk [tilespmem:v42+s12+$0x0], $0xffff  }
0x1e6: {  	v42 =	vor.u32 $0x2, v33  }
0x1e7: {  	v39 =	vld.idx.msk [tilespmem:v39+s12+$0x0], $0xffff  }
0x1e8: {  	v43 =	vor.u32 $0x2, v34  }
0x1e9: {  	v40 =	vld.idx.msk [tilespmem:v40+s12+$0x0], $0xffff  }
0x1ea: {  	v44 =	vor.u32 $0x2, v36;
	v38 =	vmul.f32 v38, v22  }
0x1eb: {  	v41 =	vmul.f32 v41, v23;
	v42 =	vld.idx.msk [tilespmem:v42+s12+$0x0], $0xffff  }
0x1ec: {  	v45 =	vor.u32 $0x2, v37  }
0x1ed: {  	v38 =	vadd.f32 v41, v38;
	v39 =	vmul.f32 v39, v26;
	v41 =	vld.idx.msk [tilespmem:v43+s12+$0x0], $0xffff;
	_ =	sdelay $0x1  }
0x1ee: {  	v38 =	vadd.f32 v39, v38;
	v39 =	vmul.f32 v40, v28;
	v40 =	vld.idx.msk [tilespmem:v44+s12+$0x0], $0xffff;
	_ =	sdelay $0x1  }
0x1ef: {  	v38 =	vadd.f32 v39, v38;
	v39 =	vmul.f32 v42, v30;
	v42 =	vld.idx.msk [tilespmem:v45+s12+$0x0], $0xffff;
	_ =	sdelay $0x1  }
0x1f0: {  	v38 =	vadd.f32 v39, v38;
	v39 =	vmul.f32 v41, v32  }
0x1f1: {  	v41 =	vadd.s32 s21, v18  }
0x1f2: {  	v38 =	vadd.f32 v39, v38;
	v39 =	vmul.f32 v40, v31;
	v40 =	vand.u32 $0x1FF8, v41  }
0x1f3: {  	v40 =	vor.u32 v19, v40  }
0x1f4: {  	v25 =	vor.u32 $0x3, v25;
	v38 =	vadd.f32 v39, v38;
	v39 =	vmul.f32 v42, v35  }
0x1f5: {  	v24 =	vor.u32 $0x3, v24  }
0x1f6: {  	v27 =	vor.u32 $0x3, v27;
	v38 =	vadd.f32 v39, v38  }
0x1f7: {  	v29 =	vor.u32 $0x3, v29  }
0x1f8: {  	v33 =	vor.u32 $0x3, v33;
	[tilespmem:v40+s9+$0x0] =	vst.idx.msk $0xffff, v38  }
0x1f9: {  	v34 =	vor.u32 $0x3, v34;
	v25 =	vld.idx.msk [tilespmem:v25+s12+$0x0], $0xffff  }
0x1fa: {  	v36 =	vor.u32 $0x3, v36;
	v24 =	vld.idx.msk [tilespmem:v24+s12+$0x0], $0xffff  }
0x1fb: {  	v37 =	vor.u32 $0x3, v37;
	v27 =	vld.idx.msk [tilespmem:v27+s12+$0x0], $0xffff  }
0x1fc: {  	v29 =	vld.idx.msk [tilespmem:v29+s12+$0x0], $0xffff  }
0x1fd: {  	v33 =	vld.idx.msk [tilespmem:v33+s12+$0x0], $0xffff  }
0x1fe: {  	v34 =	vld.idx.msk [tilespmem:v34+s12+$0x0], $0xffff  }
0x1ff: {  	v22 =	vmul.f32 v25, v22;
	v25 =	vld.idx.msk [tilespmem:v36+s12+$0x0], $0xffff  }
0x200: {  	v23 =	vmul.f32 v24, v23;
	v24 =	vld.idx.msk [tilespmem:v37+s12+$0x0], $0xffff;
	_ =	sdelay $0x1  }
0x201: {  	v22 =	vadd.f32 v23, v22;
	v23 =	vmul.f32 v27, v26;
	_ =	sdelay $0x1  }
0x202: {  	v22 =	vadd.f32 v23, v22;
	v23 =	vmul.f32 v29, v28;
	_ =	sdelay $0x1  }
0x203: {  	v26 =	vmul.f32 v33, v30;
	v23 =	vadd.f32 v23, v22;
	v22 =	vmul.f32 v24, v35  }
.Ltmp1:
0x204: {  	(pc) =	sbr.rel @p0 .LBB2_5-.Ltmp1, $4  }
0x205: {  	v24 =	vmul.f32 v34, v32;
	v23 =	vadd.f32 v26, v23  }
0x206: {  	v26 =	vadd.s32 s21, v20  }
0x207: {  	s25 =	sadd.s32 $0x2, s25;
	s0 =	sadd.s32 $0xFFFFFF90, s23;
	s29 =	sadd.s32 $0xFFFFFFA0, s23;
	v26 =	vand.u32 $0x1FF8, v26;
	v23 =	vadd.f32 v24, v23;
	v24 =	vmul.f32 v25, v31  }
0x208: {  	s24 =	sadd.s32 $0x10, s24;
	s22 =	sadd.s32 $0x80, s22;
	v27 =	vmov s0;
	v25 =	vmov s29;
	v26 =	vor.u32 v21, v26;
	s29 =	smov.u32 s26  }
0x209: {  	v28 =	vadd.f32 v24, v23  }
0x20a: {  	v27 =	vshll.u32 v27, $0x3  }
0x20b: {  	v42 =	vshll.u32 v25, $0x3;
	s0 =	sadd.s32 $0xFFFFFFB0, s23;
	v23 =	vor.u32 v13, v27;
	v22 =	vadd.f32 v22, v28  }
0x20c: {  	v24 =	vor.u32 v13, v42;
	v43 =	vmov s0  }
0x20d: {  	s30 =	sadd.s32 $0xFFFFFFC0, s23;
	v25 =	vshll.u32 v43, $0x3;
	[tilespmem:v26+s9+$0x0] =	vst.idx.msk $0xffff, v22  }
0x20e: {  	v44 =	vmov s30;
	v25 =	vor.u32 v13, v25;
	v22 =	vld [tilespmem:s22+$0xFFFFFFC0]  }
0x20f: {  	s31 =	sadd.s32 $0xFFFFFFD0, s23;
	v45 =	vshll.u32 v44, $0x3;
	v26 =	vld [tilespmem:s22+$0xFFFFFFD0]  }
0x210: {  	v47 =	vmov s31;
	v27 =	vor.u32 v13, v45;
	v46 =	vld.idx.msk [tilespmem:v23+s12+$0x0], $0xffff  }
0x211: {  	s26 =	sadd.s32 $0xFFFFFFE0, s23;
	v30 =	vshll.u32 v47, $0x3;
	v29 =	vld.idx.msk [tilespmem:v24+s12+$0x0], $0xffff  }
0x212: {  	s20 =	sadd.s32 $0x1, s20;
	s25 =	sand.u32 $0x30, s25;
	s29 =	sadd.s32 $0xFFFFFFF0, s23;
	v31 =	vmov s26;
	v30 =	vor.u32 v13, v30;
	v33 =	vld [tilespmem:s22+$0xFFFFFFE0]  }
0x213: {  	s20 =	sand.u32 $0x7, s20;
	s25 =	sor.u32 $0x1200, s25;
	v35 =	vmov s29;
	v31 =	vshll.u32 v31, $0x3;
	v32 =	vld.idx.msk [tilespmem:v25+s12+$0x0], $0xffff  }
0x214: {  	v34 =	vmov s25;
	p0 =	seq.s32 s20, $0x7;
	v35 =	vshll.u32 v35, $0x3;
	v31 =	vor.u32 v13, v31;
	v37 =	vld [tilespmem:s22+$0xFFFFFFF0]  }
0x215: {  	v34 =	vpsel !p0, s24, v34;
	v35 =	vor.u32 v13, v35;
	v36 =	vld.idx.msk [tilespmem:v27+s12+$0x0], $0xffff  }
0x216: {  	v34 =	vsel vm0, s23, v34;
	v39 =	vld [tilespmem:s22+$0x0];
	v28 =	vmul.f32 v46, v22;
	v29 =	vmul.f32 v29, v26  }
0x217: {  	v34 =	vshll.u32 v34, $0x3;
	v38 =	vld.idx.msk [tilespmem:v30+s12+$0x0], $0xffff  }
0x218: {  	v40 =	vld [tilespmem:s22+$0x10];
	v34 =	vor.u32 v13, v34;
	v28 =	vadd.f32 v29, v28;
	v48 =	vmul.f32 v32, v33  }
0x219: {  	v49 =	vld.idx.msk [tilespmem:v31+s12+$0x0], $0xffff  }
0x21a: {  	v41 =	vld [tilespmem:s22+$0x20];
	v50 =	vmul.f32 v36, v37;
	v28 =	vadd.f32 v48, v28  }
0x21b: {  	v51 =	vld.idx.msk [tilespmem:v35+s12+$0x0], $0xffff  }
0x21c: {  	v42 =	vld [tilespmem:s22+$0x30];
	v52 =	vmul.f32 v38, v39;
	v28 =	vadd.f32 v50, v28  }
0x21d: {  	v53 =	vld.idx.msk [tilespmem:v34+s12+$0x0], $0xffff  }
0x21e: {  	s30 =	sadd.s32 $0x70, s21;
	v54 =	vmul.f32 v49, v40;
	v28 =	vadd.f32 v52, v28  }
0x21f: {  	v55 =	vadd.s32 s30, v14  }
0x220: {  	v56 =	vmul.f32 v51, v41;
	v32 =	vand.u32 $0x1FF8, v55;
	v28 =	vadd.f32 v54, v28  }
0x221: {  	v32 =	vor.u32 v15, v32  }
0x222: {  	v58 =	vor.u32 $0x1, v23;
	v57 =	vmul.f32 v53, v42;
	v28 =	vadd.f32 v56, v28  }
0x223: {  	v59 =	vor.u32 $0x1, v24  }
0x224: {  	v28 =	vadd.f32 v57, v28  }
0x225: {  	v60 =	vor.u32 $0x1, v25  }
0x226: {  	[tilespmem:v32+s9+$0x0] =	vst.idx.msk $0xffff, v28  }
0x227: {  	v61 =	vor.u32 $0x1, v27;
	v28 =	vld.idx.msk [tilespmem:v58+s12+$0x0], $0xffff  }
0x228: {  	v62 =	vld.idx.msk [tilespmem:v59+s12+$0x0], $0xffff  }
0x229: {  	v63 =	vor.u32 $0x1, v30  }
0x22a: {  	v29 =	vld.idx.msk [tilespmem:v60+s12+$0x0], $0xffff  }
0x22b: {  	v43 =	vor.u32 $0x1, v31  }
0x22c: {  	v32 =	vld.idx.msk [tilespmem:v61+s12+$0x0], $0xffff  }
0x22d: {  	v44 =	vor.u32 $0x1, v35;
	v28 =	vmul.f32 v28, v22;
	v36 =	vmul.f32 v62, v26  }
0x22e: {  	v38 =	vld.idx.msk [tilespmem:v63+s12+$0x0], $0xffff  }
0x22f: {  	v45 =	vor.u32 $0x1, v34;
	v29 =	vmul.f32 v29, v33;
	v28 =	vadd.f32 v36, v28  }
0x230: {  	v43 =	vld.idx.msk [tilespmem:v43+s12+$0x0], $0xffff  }
0x231: {  	v46 =	vmul.f32 v32, v37;
	v28 =	vadd.f32 v29, v28  }
0x232: {  	v47 =	vld.idx.msk [tilespmem:v44+s12+$0x0], $0xffff  }
0x233: {  	v48 =	vmul.f32 v38, v39;
	v28 =	vadd.f32 v46, v28  }
0x234: {  	v49 =	vld.idx.msk [tilespmem:v45+s12+$0x0], $0xffff  }
0x235: {  	v50 =	vmul.f32 v43, v40;
	v28 =	vadd.f32 v48, v28  }
0x236: {  	v51 =	vadd.s32 s30, v16  }
0x237: {  	v53 =	vand.u32 $0x1FF8, v51;
	v52 =	vmul.f32 v47, v41;
	v28 =	vadd.f32 v50, v28  }
0x238: {  	v32 =	vor.u32 v17, v53  }
0x239: {  	v55 =	vor.u32 $0x2, v23;
	v54 =	vmul.f32 v49, v42;
	v28 =	vadd.f32 v52, v28  }
0x23a: {  	v56 =	vor.u32 $0x2, v24  }
0x23b: {  	v28 =	vadd.f32 v54, v28  }
0x23c: {  	v57 =	vor.u32 $0x2, v25  }
0x23d: {  	[tilespmem:v32+s9+$0x0] =	vst.idx.msk $0xffff, v28  }
0x23e: {  	v58 =	vor.u32 $0x2, v27;
	v28 =	vld.idx.msk [tilespmem:v55+s12+$0x0], $0xffff  }
0x23f: {  	v59 =	vld.idx.msk [tilespmem:v56+s12+$0x0], $0xffff  }
0x240: {  	v60 =	vor.u32 $0x2, v30  }
0x241: {  	v29 =	vld.idx.msk [tilespmem:v57+s12+$0x0], $0xffff  }
0x242: {  	v61 =	vor.u32 $0x2, v31  }
0x243: {  	v32 =	vld.idx.msk [tilespmem:v58+s12+$0x0], $0xffff  }
0x244: {  	v62 =	vor.u32 $0x2, v35;
	v28 =	vmul.f32 v28, v22;
	v36 =	vmul.f32 v59, v26  }
0x245: {  	v38 =	vld.idx.msk [tilespmem:v60+s12+$0x0], $0xffff  }
0x246: {  	v63 =	vor.u32 $0x2, v34;
	v29 =	vmul.f32 v29, v33;
	v28 =	vadd.f32 v36, v28  }
0x247: {  	v43 =	vld.idx.msk [tilespmem:v61+s12+$0x0], $0xffff  }
0x248: {  	v46 =	vmul.f32 v32, v37;
	v28 =	vadd.f32 v29, v28  }
0x249: {  	v47 =	vld.idx.msk [tilespmem:v62+s12+$0x0], $0xffff  }
0x24a: {  	v48 =	vmul.f32 v38, v39;
	v28 =	vadd.f32 v46, v28  }
0x24b: {  	v49 =	vld.idx.msk [tilespmem:v63+s12+$0x0], $0xffff  }
0x24c: {  	v50 =	vmul.f32 v43, v40;
	v28 =	vadd.f32 v48, v28  }
0x24d: {  	v51 =	vadd.s32 s30, v18  }
0x24e: {  	v53 =	vand.u32 $0x1FF8, v51;
	v52 =	vmul.f32 v47, v41;
	v28 =	vadd.f32 v50, v28  }
0x24f: {  	v32 =	vor.u32 v19, v53  }
0x250: {  	v23 =	vor.u32 $0x3, v23;
	v54 =	vmul.f32 v49, v42;
	v28 =	vadd.f32 v52, v28  }
0x251: {  	v24 =	vor.u32 $0x3, v24  }
0x252: {  	v28 =	vadd.f32 v54, v28  }
0x253: {  	v25 =	vor.u32 $0x3, v25  }
0x254: {  	[tilespmem:v32+s9+$0x0] =	vst.idx.msk $0xffff, v28  }
0x255: {  	v27 =	vor.u32 $0x3, v27;
	v23 =	vld.idx.msk [tilespmem:v23+s12+$0x0], $0xffff  }
0x256: {  	v24 =	vld.idx.msk [tilespmem:v24+s12+$0x0], $0xffff  }
0x257: {  	v55 =	vor.u32 $0x3, v30  }
0x258: {  	v25 =	vld.idx.msk [tilespmem:v25+s12+$0x0], $0xffff  }
0x259: {  	v56 =	vor.u32 $0x3, v31  }
0x25a: {  	v27 =	vld.idx.msk [tilespmem:v27+s12+$0x0], $0xffff  }
0x25b: {  	v57 =	vor.u32 $0x3, v35;
	v22 =	vmul.f32 v23, v22;
	v23 =	vmul.f32 v24, v26  }
0x25c: {  	v58 =	vld.idx.msk [tilespmem:v55+s12+$0x0], $0xffff  }
0x25d: {  	v59 =	vor.u32 $0x3, v34;
	v22 =	vadd.f32 v23, v22;
	v23 =	vmul.f32 v25, v33  }
0x25e: {  	v60 =	vld.idx.msk [tilespmem:v56+s12+$0x0], $0xffff  }
0x25f: {  	v22 =	vadd.f32 v23, v22;
	v23 =	vmul.f32 v27, v37  }
0x260: {  	v61 =	vld.idx.msk [tilespmem:v57+s12+$0x0], $0xffff  }
0x261: {  	v22 =	vadd.f32 v23, v22;
	v23 =	vmul.f32 v58, v39  }
0x262: {  	v62 =	vld.idx.msk [tilespmem:v59+s12+$0x0], $0xffff  }
0x263: {  	v22 =	vadd.f32 v23, v22;
	v23 =	vmul.f32 v60, v40  }
0x264: {  	v63 =	vadd.s32 s30, v20  }
0x265: {  	v25 =	vand.u32 $0x1FF8, v63;
	v22 =	vadd.f32 v23, v22;
	v23 =	vmul.f32 v61, v41  }
0x266: {  	v25 =	vor.u32 v21, v25  }
0x267: {  	v24 =	vmul.f32 v62, v42;
	v22 =	vadd.f32 v23, v22  }
0x268: {  	s31 =	smul.u32 $0x7, s19  }
0x269: {  	s18 =	sadd.s32 $0x1, s18;
	v22 =	vadd.f32 v24, v22  }
0x26a: {  	s0 =	sshrl.u32 s31, $0x3;
	p0 =	sne.s32 s18, $0x10  }
.Ltmp2:
0x26b: {  	s0 =	sadd.s32 s5, s0;
	[tilespmem:v25+s9+$0x0] =	vst.idx.msk $0xffff, v22;
	(pc) =	sbr.rel @p0 .LBB2_2-.Ltmp2, $4  }
0x26c: {  	[hbm4b:s0+s2] =	stream.linear.scatter [tilespmem:s9], [sflag:$0x2], $0xE00, $0x38;
	[tilespmem:$0xDC80] =	vst v63  }
0x26d: {  	_ =	swait.ge [sflag:s8], $0xE00  }
0x26e: {  	[sflag:s8] =	ssyncset.done $0x0  }
0x26f: {  	[sflag:s8] =	ssyncadd.s32 $0xFFFFF200  }
0x270: {  	s18 =	rddreg [dreg:$0x4]  }
0x271: {  	s0 =	rddreg [dreg:$0x3];
	s18 =	sadd.s32 $0x1, s18  }
0x272: {  	p0 =	sne.s32 s18, s0  }
.Ltmp3:
0x273: {  	_ = 	snop;
	(pc) =	sbr.rel @p0 .LBB2_1-.Ltmp3, $1  }
0x274: {  	_ =	sdelay $0x3  }
0x275: {  	_ =	sfence.sel $0x180000  }
0x276: {  	[bflag:$0x0] =	sbarrier.arrive $0xFFFF  }
0x277: {  	_ =	strace $0x90000047  }
0x278: {  	s0 =	stileid.u32;
	[bflag:$0x2] =	sbarrier.arrive $0xFFFF  }
0x279: {  	p0 =	sne.s32 s0, $0x0;
	s0 =	rddreg [dreg:$0x2]  }
0x27a: {  	s0 =	sadd.s32 @!p0 $0x100000, s0  }
0x27b: {  	[sflag:s0] =	ssyncadd.tile.s32 @!p0 $0x1;
	_ =	shalt  }
.Lfunc_end2:
_tile_overlayer_lowered:
.L_overlay_start_2:
0x27c: {  	(tag) =	ssettag $0x2  }
0x27d: {  	s0 =	rddreg [dreg:$0x0];
	s2 =	stileid.u32  }
0x27e: {  	s1 =	rddreg [dreg:$0x1];
	p0 =	sne.s32 s2, $0x0  }
0x27f: {  	s3 =	rddreg [dreg:$0x2];
	[bflag:$0x3] =	sbarrier.arrive $0xFFFF;
	s2 =	simm.s32 @!p0 $0x1C02  }
0x280: {  	[timem:s3], [sflag:s2] =	dma.local @!p0 [hbm:s0], s1  }
0x281: {  	s0 =	simm.s32 @!p0 $0x2  }
0x282: {  	_ =	swait.ge @!p0 [sflag:s0], s1  }
0x283: {  	s1 =	ssub.s32 @!p0 $0x0, s1;
	[sflag:s0] =	ssyncset.done @!p0 $0x0  }
0x284: {  	[sflag:s0] =	ssyncadd.s32 @!p0 s1  }
0x285: {  	[bflag:$0x3] =	sbarrier.arrive $0xFFFF  }
0x286: {  	_ =	shalt  }

</sc_bundles>
